<compile_context>
chip_gen: v7x
topology: tpu7x:2x2x1
jax: 0.10.2.dev20260603
libtpu: 0.0.44.dev20260713+nightly
codegen_flags: <defaults>
</compile_context>

<pallas_src>
import functools

import jax
import jax.numpy as jnp
from jax import lax
from jax.experimental import pallas as pl
from jax.experimental.pallas import tpu as pltpu
from jax.experimental.pallas import tpu_sc as plsc

DT = 0.1

_NC = 2
_NS = 16
_NW = _NC * _NS

_HPAD = 256
_HCHUNK = 8192
_GCHUNK = 8192


def _f_sys(x, u):
    return jnp.stack([
        x[0] + u[0] * jnp.cos(x[2]) * DT,
        x[1] + u[0] * jnp.sin(x[2]) * DT,
        x[2] + u[1] * DT,
    ])


def _h_sys(x):
    return jnp.sqrt(x[0] ** 2 + x[1] ** 2)[None]


def _count_kernel(c_ref, rrow_ref, r_ref, k_ref, *, n_total):
    c = c_ref[...]
    rows = c.shape[0]
    t = c
    coli = lax.broadcasted_iota(jnp.int32, (rows, 128), 1)
    r2 = lax.broadcasted_iota(jnp.int32, (128, 128), 0)
    c2 = lax.broadcasted_iota(jnp.int32, (128, 128), 1)
    for b in range(7):
        half = 1 << b
        sel = (r2 == (((c2 >> b) | 1) << b)).astype(jnp.float32)
        perm = jnp.dot(c, sel, precision=lax.Precision.HIGHEST,
                       preferred_element_type=jnp.float32)
        maskb = (coli & half) == 0
        t = jnp.where(maskb, jnp.minimum(t, perm), t)
    c = jnp.minimum(t, rrow_ref[...])
    r = r_ref[0, 0]
    inv_n = jnp.float32(1.0 / n_total)
    x = (c - r) * jnp.float32(n_total)
    x = jnp.clip(x, jnp.float32(-2.0), jnp.float32(n_total + 8))
    est = jnp.floor(x).astype(jnp.int32) + 1
    base = jnp.clip(est - 4, 0, n_total)
    k = base
    for t in range(8):
        m = base + t
        u_m = r + m.astype(jnp.float32) * inv_n
        k = k + ((u_m <= c) & (m < n_total)).astype(jnp.int32)
    k_ref[...] = k


def _hist_body(n, counts_hbm, out_hbm, a_sh, idx_v, one_v, z_v):
    c = lax.axis_index("c")
    s = lax.axis_index("s")
    per_worker = n // _NW
    wch = n // _NS

    def _fill_ones(i, _):
        one_v[pl.ds(i * 16, 16)] = jnp.ones((16,), jnp.int32)
        return 0
    lax.fori_loop(0, _HCHUNK // 16, _fill_ones, 0)

    def _fill_zeros(i, _):
        z_v[pl.ds(i * 16, 16)] = jnp.zeros((16,), jnp.int32)
        return 0
    lax.fori_loop(0, _HCHUNK // 16, _fill_zeros, 0)

    for t in range(wch // _HCHUNK):
        pltpu.sync_copy(z_v, a_sh.at[pl.ds(s * wch + t * _HCHUNK, _HCHUNK)])

    @pl.when(s == 0)
    def _():
        pltpu.sync_copy(z_v.at[pl.ds(0, _HPAD)], a_sh.at[pl.ds(n, _HPAD)])

    plsc.subcore_barrier()

    base = (c * _NS + s) * per_worker
    for t in range(per_worker // _HCHUNK):
        pltpu.sync_copy(counts_hbm.at[pl.ds(base + t * _HCHUNK, _HCHUNK)],
                        idx_v)
        pltpu.sync_copy(one_v, a_sh.at[idx_v], add=True)
    plsc.subcore_barrier()

    pltpu.sync_copy(a_sh.at[pl.ds(s * wch, wch)],
                    out_hbm.at[c, pl.ds(s * wch, wch)])


def _scan_kernel(h0_ref, h1_ref, idx_ref, carry_ref, *, n_total):
    i = pl.program_id(0)
    a = (h0_ref[0] + h1_ref[0]).astype(jnp.float32)
    rows = lax.broadcasted_iota(jnp.int32, (1024, 1024), 0)
    cols = lax.broadcasted_iota(jnp.int32, (1024, 1024), 1)
    tri = (rows <= cols).astype(jnp.float32)
    crows = jnp.dot(a, tri, precision=lax.Precision.HIGHEST,
                    preferred_element_type=jnp.float32)
    s = crows[:, 1023:1024]
    r2 = lax.broadcasted_iota(jnp.int32, (128, 128), 0)
    c2 = lax.broadcasted_iota(jnp.int32, (128, 128), 1)
    strict = (c2 < r2).astype(jnp.float32)
    pref = jnp.dot(strict, s, precision=lax.Precision.HIGHEST,
                   preferred_element_type=jnp.float32)

    @pl.when(i == 0)
    def _():
        carry_ref[0] = 0.0

    carry = carry_ref[0]
    f = crows + pref + carry
    idx_ref[...] = jnp.minimum(f, n_total - 1).astype(jnp.int32)
    carry_ref[0] = carry + jnp.sum(s)


def _mu_kernel(x_ref, out_ref):
    x = x_ref[...]
    s_plain = jnp.sum(x)
    s_sin = jnp.sum(jnp.sin(x))
    s_cos = jnp.sum(jnp.cos(x))
    lanei = lax.broadcasted_iota(jnp.int32, (1, 128), 1)
    v = jnp.where(lanei == 0, s_plain,
                  jnp.where(lanei == 1, s_sin,
                            jnp.where(lanei == 2, s_cos,
                                      jnp.float32(0.0))))
    out_ref[0] = v


def _gather_body(n, c0_hbm, c1_hbm, c2_hbm, idx_hbm, out_hbm, idx_v, rows_v,
                 sem):
    c = lax.axis_index("c")
    s = lax.axis_index("s")
    per_worker = n // _NW
    base = (c * _NS + s) * per_worker
    for t in range(per_worker // _GCHUNK):
        o = base + t * _GCHUNK
        pltpu.sync_copy(idx_hbm.at[pl.ds(o, _GCHUNK)], idx_v)
        copies = [
            pltpu.async_copy(col.at[idx_v],
                             rows_v.at[pl.ds(k * _GCHUNK, _GCHUNK)], sem)
            for k, col in enumerate((c0_hbm, c1_hbm, c2_hbm))
        ]
        for cp in copies:
            cp.wait()
        for k in range(3):
            pltpu.sync_copy(rows_v.at[pl.ds(k * _GCHUNK, _GCHUNK)],
                            out_hbm.at[pl.ds(k * n + o, _GCHUNK)])


def kernel(particles, u, z, M, Q_val, key):
    n = particles.shape[0]
    key_motion, key_resample = jax.random.split(key)
    u_noise = jax.random.multivariate_normal(
        key_motion, jnp.zeros_like(u), M, shape=(n,))
    u_particles = u + u_noise
    particles_bar = jax.vmap(_f_sys, in_axes=(0, 0))(particles, u_particles)
    z_expected = jax.vmap(_h_sys, in_axes=(0,))(particles_bar)
    innov = (z - z_expected).reshape(-1)
    weights = jnp.exp(-0.5 * innov ** 2 / Q_val)
    weights = weights + 1e-08
    weights = weights / jnp.sum(weights)
    r = jax.random.uniform(key_resample, minval=0.0, maxval=1.0 / n)
    c = jnp.cumsum(weights)

    rows = n // 128
    block_rows = rows // 16
    col0 = c.reshape(rows, 128)[:, 0]
    rrow = jnp.full((rows,), jnp.inf, jnp.float32)
    for kbit in range(13):
        blk = 1 << (kbit + 1)
        half = 1 << kbit
        mids = col0.reshape(rows // blk, blk)[:, half]
        rr = rrow.reshape(rows // blk, blk)
        rrow = jnp.concatenate(
            [jnp.minimum(rr[:, :half], mids[:, None]), rr[:, half:]],
            axis=1).reshape(-1)

    counts = pl.pallas_call(
        functools.partial(_count_kernel, n_total=n),
        grid=(16,),
        in_specs=[
            pl.BlockSpec((block_rows, 128), lambda i: (i, 0)),
            pl.BlockSpec((block_rows, 1), lambda i: (i, 0)),
            pl.BlockSpec((1, 1), lambda i: (0, 0)),
        ],
        out_specs=pl.BlockSpec((block_rows, 128), lambda i: (i, 0)),
        out_shape=jax.ShapeDtypeStruct((rows, 128), jnp.int32),
    )(c.reshape(rows, 128), rrow.reshape(rows, 1), r.reshape(1, 1))
    counts = counts.reshape(-1)

    mesh = plsc.VectorSubcoreMesh(core_axis_name="c", subcore_axis_name="s")
    hist2 = pl.kernel(
        functools.partial(_hist_body, n),
        out_type=jax.ShapeDtypeStruct((_NC, n), jnp.int32),
        mesh=mesh,
        scratch_types=[
            pltpu.VMEM_SHARED(((n + _HPAD),), jnp.int32),
            pltpu.VMEM((_HCHUNK,), jnp.int32),
            pltpu.VMEM((_HCHUNK,), jnp.int32),
            pltpu.VMEM((_HCHUNK,), jnp.int32),
        ],
    )(counts)

    side = 1024
    h3 = hist2.reshape(_NC, side, side)
    indices = pl.pallas_call(
        functools.partial(_scan_kernel, n_total=n),
        grid=(8,),
        in_specs=[
            pl.BlockSpec((1, 128, side), lambda i: (0, i, 0)),
            pl.BlockSpec((1, 128, side), lambda i: (1, i, 0)),
        ],
        out_specs=pl.BlockSpec((128, side), lambda i: (i, 0)),
        out_shape=jax.ShapeDtypeStruct((side, side), jnp.int32),
        scratch_shapes=[pltpu.SMEM((1,), jnp.float32)],
    )(h3, h3)
    indices = indices.reshape(-1)

    resampled_cols = pl.kernel(
        functools.partial(_gather_body, n),
        out_type=jax.ShapeDtypeStruct((3 * n,), jnp.float32),
        mesh=plsc.VectorSubcoreMesh(core_axis_name="c",
                                    subcore_axis_name="s"),
        scratch_types=[
            pltpu.VMEM((_GCHUNK,), jnp.int32),
            pltpu.VMEM((3 * _GCHUNK,), jnp.float32),
            pltpu.SemaphoreType.DMA,
        ],
    )(particles_bar[:, 0], particles_bar[:, 1], particles_bar[:, 2],
      indices)
    particles_resampled = resampled_cols.reshape(3, n).T

    mrows = (3 * n) // 128
    parts = pl.pallas_call(
        _mu_kernel,
        grid=(24,),
        in_specs=[pl.BlockSpec((1024, 128), lambda i: (i, 0))],
        out_specs=pl.BlockSpec((1, 1, 128), lambda i: (i, 0, 0)),
        out_shape=jax.ShapeDtypeStruct((24, 1, 128), jnp.float32),
    )(resampled_cols.reshape(mrows, 128))
    npf = jnp.float32(n)
    sum_px = jnp.sum(parts[0:8, 0, 0])
    sum_py = jnp.sum(parts[8:16, 0, 0])
    ssin = jnp.sum(parts[16:24, 0, 1])
    scos = jnp.sum(parts[16:24, 0, 2])
    mean_theta = jnp.arctan2(ssin / npf, scos / npf)
    mu_now = jnp.array([sum_px / npf, sum_py / npf, mean_theta])
    return (mu_now, particles_resampled)

# --- scband reference (transcript-rebuilt; emitter-appended) ---
"""Pipeline reference for scband-particle-filter-35253091566083 (READ-ONLY COPY).

The authoritative reference and input builder live on the scoring server;
editing this copy changes nothing except your own understanding.
"""

import jax, jax.numpy as jnp
import numpy as np

NUM_PARTICLES = 1048576
DT = 0.1

def f_sys(x, u):
    # unicycle motion model: x=[px,py,theta], u=[v,w]
    return jnp.stack([
        x[0] + u[0] * jnp.cos(x[2]) * DT,
        x[1] + u[0] * jnp.sin(x[2]) * DT,
        x[2] + u[1] * DT,
    ])

def h_sys(x):
    # range-to-origin measurement, nz=1
    return jnp.sqrt(x[0] ** 2 + x[1] ** 2)[None]

def setup_inputs(seed: int = 0) -> dict:
    key = jax.random.key(seed)
    k1, k2, k3 = jax.random.split(key, 3)
    particles = jax.random.normal(k1, (NUM_PARTICLES, 3), dtype=jnp.float32)
    u = jax.random.normal(k2, (2,), dtype=jnp.float32)
    z = jax.random.normal(k3, (1,), dtype=jnp.float32)
    M = (0.01 * jnp.eye(2)).astype(jnp.float32)  # PSD control-noise covariance
    Q_val = jnp.float32(1.0)
    prng = jax.random.key(42)
    return {"particles": particles, "u": u, "z": z, "M": M, "Q_val": Q_val, "key": prng}

def reference(particles, u, z, M, Q_val, key):
    N = particles.shape[0]
    key_motion, key_resample = jax.random.split(key)
    u_noise = jax.random.multivariate_normal(key_motion, jnp.zeros_like(u), M, shape=(N,))
    u_particles = u + u_noise
    particles_bar = jax.vmap(f_sys, in_axes=(0, 0))(particles, u_particles)
    z_expected = jax.vmap(h_sys, in_axes=(0,))(particles_bar)
    innov = (z - z_expected).reshape(-1)
    weights = jnp.exp(-0.5 * innov ** 2 / Q_val)
    weights = weights + 1e-08
    weights = weights / jnp.sum(weights)
    r = jax.random.uniform(key_resample, minval=0.0, maxval=1.0 / N)
    c = jnp.cumsum(weights)
    U = r + jnp.arange(N) * (1.0 / N)
    indices = jnp.searchsorted(c, U)
    particles_resampled = particles_bar[indices]
    mean_pos = jnp.mean(particles_resampled[:, :2], axis=0)
    mean_theta = jnp.arctan2(
        jnp.mean(jnp.sin(particles_resampled[:, 2])),
        jnp.mean(jnp.cos(particles_resampled[:, 2])),
    )
    mu_now = jnp.array([mean_pos[0], mean_pos[1], mean_theta])
    return (mu_now, particles_resampled)

if __name__ == "__main__":
    import jax
    _d = setup_inputs()
    print(jax.jit(kernel)(*tuple(_d.values())))

</pallas_src>

<mosaic_0001>
#map = affine_map<(d0, d1) -> (0)>
#map1 = affine_map<(d0, d1) -> (0, 0)>
module attributes {stable_mosaic.version = 14 : i64} {
  func.func @_hist_body(%arg0: i32, %arg1: i32, %arg2: memref<1048576xi32, #tpu.memory_space<hbm>>, %arg3: memref<2x1048576xi32, #tpu.memory_space<hbm>>, %arg4: memref<1048832xi32, #tpu.memory_space<vmem_shared>>, %arg5: memref<8192xi32, #tpu.memory_space<vmem>>, %arg6: memref<8192xi32, #tpu.memory_space<vmem>>, %arg7: memref<8192xi32, #tpu.memory_space<vmem>>) attributes {dimension_semantics = [#tpu.dimension_semantics<core_parallel>, #tpu.dimension_semantics<subcore_parallel>], iteration_bounds = array<i64: 2, 16>, scalar_prefetch = 0 : i64, scratch_operands = 4 : i64, tpu.core_type = #tpu.core_type<sc_vector_subcore>, window_params = [{transform_indices = #map}, {transform_indices = #map1}]} {
    %scan3A = arith.constant 0 : i32
    %scan3A_0 = arith.constant 0 : i32
    %scan3A_1 = arith.constant 512 : i32
    %scan3A_2 = arith.addi %scan3A_0, %scan3A_1 : i32
    %scan3A_3 = arith.constant 1 : i32
    %scan3A_4 = scf.for %scan3A_63 = %scan3A_0 to %scan3A_2 step %scan3A_3 iter_args(%scan3A_64 = %scan3A) -> (i32)  : i32 {
      %broadcast_in_dim3A = arith.constant 1 : i32
      %broadcast_in_dim3A_65 = vector.broadcast %broadcast_in_dim3A : i32 to vector<16xi32>
      %mul3A_66 = arith.constant 16 : i32
      %mul3A_67 = arith.muli %scan3A_63, %mul3A_66 : i32
      %swap3A = arith.index_cast %mul3A_67 : i32 to index
      %swap3A_68 = tpu.vector_load %arg6[%swap3A] {strides = array<i32>} : memref<8192xi32, #tpu.memory_space<vmem>>, vector<16xi32>,
      %swap3A_69 = vector.shape_cast %swap3A_68 : vector<16xi32> to vector<16xi32>
      %swap3A_70 = vector.shape_cast %broadcast_in_dim3A_65 : vector<16xi32> to vector<16xi32>
      tpu.vector_store %arg6[%swap3A], %swap3A_70 {strides = array<i32>} : memref<8192xi32, #tpu.memory_space<vmem>>, vector<16xi32>,
      %scan3A_71 = arith.constant 0 : i32
      scf.yield %scan3A_71 : i32
    }
    %scan3A_5 = arith.constant 512 : i32
    %scan3A_6 = arith.constant 0 : i32
    %scan3A_7 = arith.constant 0 : i32
    %scan3A_8 = arith.constant 512 : i32
    %scan3A_9 = arith.addi %scan3A_7, %scan3A_8 : i32
    %scan3A_10 = arith.constant 1 : i32
    %scan3A_11 = scf.for %scan3A_63 = %scan3A_7 to %scan3A_9 step %scan3A_10 iter_args(%scan3A_64 = %scan3A_6) -> (i32)  : i32 {
      %broadcast_in_dim3A = arith.constant 0 : i32
      %broadcast_in_dim3A_65 = vector.broadcast %broadcast_in_dim3A : i32 to vector<16xi32>
      %mul3A_66 = arith.constant 16 : i32
      %mul3A_67 = arith.muli %scan3A_63, %mul3A_66 : i32
      %swap3A = arith.index_cast %mul3A_67 : i32 to index
      %swap3A_68 = tpu.vector_load %arg7[%swap3A] {strides = array<i32>} : memref<8192xi32, #tpu.memory_space<vmem>>, vector<16xi32>,
      %swap3A_69 = vector.shape_cast %swap3A_68 : vector<16xi32> to vector<16xi32>
      %swap3A_70 = vector.shape_cast %broadcast_in_dim3A_65 : vector<16xi32> to vector<16xi32>
      tpu.vector_store %arg7[%swap3A], %swap3A_70 {strides = array<i32>} : memref<8192xi32, #tpu.memory_space<vmem>>, vector<16xi32>,
      %scan3A_71 = arith.constant 0 : i32
      scf.yield %scan3A_71 : i32
    }
    %scan3A_12 = arith.constant 512 : i32
    %mul3A = arith.constant 65536 : i32
    %mul3A_13 = arith.muli %arg1, %mul3A : i32
    %add3A = arith.constant 0 : i32
    %add3A_14 = arith.addi %mul3A_13, %add3A : i32
    "tpu.region"() ({
      %run_scoped3A = tpu.sem_alloc : memref<!tpu.dma_semaphore, #tpu.memory_space<semaphore_mem>>
      %dma_start3A = tpu.memref_slice %arg4[%add3A_14] : memref<1048832xi32, #tpu.memory_space<vmem_shared>> -> memref<8192xi32, #tpu.memory_space<vmem_shared>>
      %dma_start3A_63 = tpu.memref_slice %arg4[%add3A_14] : memref<1048832xi32, #tpu.memory_space<vmem_shared>> -> memref<8192xi32, #tpu.memory_space<vmem_shared>>
      tpu.enqueue_dma source(%arg7 : memref<8192xi32, #tpu.memory_space<vmem>>) target(%dma_start3A_63 : memref<8192xi32, #tpu.memory_space<vmem_shared>>) target_semaphore(%run_scoped3A : memref<!tpu.dma_semaphore, #tpu.memory_space<semaphore_mem>>)
      %dma_wait3A = tpu.memref_slice %arg4[%add3A_14] : memref<1048832xi32, #tpu.memory_space<vmem_shared>> -> memref<8192xi32, #tpu.memory_space<vmem_shared>>
      %dma_wait3A_64 = tpu.memref_slice %arg4[%add3A_14] : memref<1048832xi32, #tpu.memory_space<vmem_shared>> -> memref<8192xi32, #tpu.memory_space<vmem_shared>>
      tpu.wait_dma2 semaphore(%run_scoped3A : memref<!tpu.dma_semaphore, #tpu.memory_space<semaphore_mem>>) src(%arg7 : memref<8192xi32, #tpu.memory_space<vmem>>) dst(%dma_wait3A_64 : memref<8192xi32, #tpu.memory_space<vmem_shared>>)
      tpu.yield
    }) : () -> ()
    %mul3A_15 = arith.constant 65536 : i32
    %mul3A_16 = arith.muli %arg1, %mul3A_15 : i32
    %add3A_17 = arith.constant 8192 : i32
    %add3A_18 = arith.addi %mul3A_16, %add3A_17 : i32
    "tpu.region"() ({
      %run_scoped3A = tpu.sem_alloc : memref<!tpu.dma_semaphore, #tpu.memory_space<semaphore_mem>>
      %dma_start3A = tpu.memref_slice %arg4[%add3A_18] : memref<1048832xi32, #tpu.memory_space<vmem_shared>> -> memref<8192xi32, #tpu.memory_space<vmem_shared>>
      %dma_start3A_63 = tpu.memref_slice %arg4[%add3A_18] : memref<1048832xi32, #tpu.memory_space<vmem_shared>> -> memref<8192xi32, #tpu.memory_space<vmem_shared>>
      tpu.enqueue_dma source(%arg7 : memref<8192xi32, #tpu.memory_space<vmem>>) target(%dma_start3A_63 : memref<8192xi32, #tpu.memory_space<vmem_shared>>) target_semaphore(%run_scoped3A : memref<!tpu.dma_semaphore, #tpu.memory_space<semaphore_mem>>)
      %dma_wait3A = tpu.memref_slice %arg4[%add3A_18] : memref<1048832xi32, #tpu.memory_space<vmem_shared>> -> memref<8192xi32, #tpu.memory_space<vmem_shared>>
      %dma_wait3A_64 = tpu.memref_slice %arg4[%add3A_18] : memref<1048832xi32, #tpu.memory_space<vmem_shared>> -> memref<8192xi32, #tpu.memory_space<vmem_shared>>
      tpu.wait_dma2 semaphore(%run_scoped3A : memref<!tpu.dma_semaphore, #tpu.memory_space<semaphore_mem>>) src(%arg7 : memref<8192xi32, #tpu.memory_space<vmem>>) dst(%dma_wait3A_64 : memref<8192xi32, #tpu.memory_space<vmem_shared>>)
      tpu.yield
    }) : () -> ()
    %mul3A_19 = arith.constant 65536 : i32
    %mul3A_20 = arith.muli %arg1, %mul3A_19 : i32
    %add3A_21 = arith.constant 16384 : i32
    %add3A_22 = arith.addi %mul3A_20, %add3A_21 : i32
    "tpu.region"() ({
      %run_scoped3A = tpu.sem_alloc : memref<!tpu.dma_semaphore, #tpu.memory_space<semaphore_mem>>
      %dma_start3A = tpu.memref_slice %arg4[%add3A_22] : memref<1048832xi32, #tpu.memory_space<vmem_shared>> -> memref<8192xi32, #tpu.memory_space<vmem_shared>>
      %dma_start3A_63 = tpu.memref_slice %arg4[%add3A_22] : memref<1048832xi32, #tpu.memory_space<vmem_shared>> -> memref<8192xi32, #tpu.memory_space<vmem_shared>>
      tpu.enqueue_dma source(%arg7 : memref<8192xi32, #tpu.memory_space<vmem>>) target(%dma_start3A_63 : memref<8192xi32, #tpu.memory_space<vmem_shared>>) target_semaphore(%run_scoped3A : memref<!tpu.dma_semaphore, #tpu.memory_space<semaphore_mem>>)
      %dma_wait3A = tpu.memref_slice %arg4[%add3A_22] : memref<1048832xi32, #tpu.memory_space<vmem_shared>> -> memref<8192xi32, #tpu.memory_space<vmem_shared>>
      %dma_wait3A_64 = tpu.memref_slice %arg4[%add3A_22] : memref<1048832xi32, #tpu.memory_space<vmem_shared>> -> memref<8192xi32, #tpu.memory_space<vmem_shared>>
      tpu.wait_dma2 semaphore(%run_scoped3A : memref<!tpu.dma_semaphore, #tpu.memory_space<semaphore_mem>>) src(%arg7 : memref<8192xi32, #tpu.memory_space<vmem>>) dst(%dma_wait3A_64 : memref<8192xi32, #tpu.memory_space<vmem_shared>>)
      tpu.yield
    }) : () -> ()
    %mul3A_23 = arith.constant 65536 : i32
    %mul3A_24 = arith.muli %arg1, %mul3A_23 : i32
    %add3A_25 = arith.constant 24576 : i32
    %add3A_26 = arith.addi %mul3A_24, %add3A_25 : i32
    "tpu.region"() ({
      %run_scoped3A = tpu.sem_alloc : memref<!tpu.dma_semaphore, #tpu.memory_space<semaphore_mem>>
      %dma_start3A = tpu.memref_slice %arg4[%add3A_26] : memref<1048832xi32, #tpu.memory_space<vmem_shared>> -> memref<8192xi32, #tpu.memory_space<vmem_shared>>
      %dma_start3A_63 = tpu.memref_slice %arg4[%add3A_26] : memref<1048832xi32, #tpu.memory_space<vmem_shared>> -> memref<8192xi32, #tpu.memory_space<vmem_shared>>
      tpu.enqueue_dma source(%arg7 : memref<8192xi32, #tpu.memory_space<vmem>>) target(%dma_start3A_63 : memref<8192xi32, #tpu.memory_space<vmem_shared>>) target_semaphore(%run_scoped3A : memref<!tpu.dma_semaphore, #tpu.memory_space<semaphore_mem>>)
      %dma_wait3A = tpu.memref_slice %arg4[%add3A_26] : memref<1048832xi32, #tpu.memory_space<vmem_shared>> -> memref<8192xi32, #tpu.memory_space<vmem_shared>>
      %dma_wait3A_64 = tpu.memref_slice %arg4[%add3A_26] : memref<1048832xi32, #tpu.memory_space<vmem_shared>> -> memref<8192xi32, #tpu.memory_space<vmem_shared>>
      tpu.wait_dma2 semaphore(%run_scoped3A : memref<!tpu.dma_semaphore, #tpu.memory_space<semaphore_mem>>) src(%arg7 : memref<8192xi32, #tpu.memory_space<vmem>>) dst(%dma_wait3A_64 : memref<8192xi32, #tpu.memory_space<vmem_shared>>)
      tpu.yield
    }) : () -> ()
    %mul3A_27 = arith.constant 65536 : i32
    %mul3A_28 = arith.muli %arg1, %mul3A_27 : i32
    %add3A_29 = arith.constant 32768 : i32
    %add3A_30 = arith.addi %mul3A_28, %add3A_29 : i32
    "tpu.region"() ({
      %run_scoped3A = tpu.sem_alloc : memref<!tpu.dma_semaphore, #tpu.memory_space<semaphore_mem>>
      %dma_start3A = tpu.memref_slice %arg4[%add3A_30] : memref<1048832xi32, #tpu.memory_space<vmem_shared>> -> memref<8192xi32, #tpu.memory_space<vmem_shared>>
      %dma_start3A_63 = tpu.memref_slice %arg4[%add3A_30] : memref<1048832xi32, #tpu.memory_space<vmem_shared>> -> memref<8192xi32, #tpu.memory_space<vmem_shared>>
      tpu.enqueue_dma source(%arg7 : memref<8192xi32, #tpu.memory_space<vmem>>) target(%dma_start3A_63 : memref<8192xi32, #tpu.memory_space<vmem_shared>>) target_semaphore(%run_scoped3A : memref<!tpu.dma_semaphore, #tpu.memory_space<semaphore_mem>>)
      %dma_wait3A = tpu.memref_slice %arg4[%add3A_30] : memref<1048832xi32, #tpu.memory_space<vmem_shared>> -> memref<8192xi32, #tpu.memory_space<vmem_shared>>
      %dma_wait3A_64 = tpu.memref_slice %arg4[%add3A_30] : memref<1048832xi32, #tpu.memory_space<vmem_shared>> -> memref<8192xi32, #tpu.memory_space<vmem_shared>>
      tpu.wait_dma2 semaphore(%run_scoped3A : memref<!tpu.dma_semaphore, #tpu.memory_space<semaphore_mem>>) src(%arg7 : memref<8192xi32, #tpu.memory_space<vmem>>) dst(%dma_wait3A_64 : memref<8192xi32, #tpu.memory_space<vmem_shared>>)
      tpu.yield
    }) : () -> ()
    %mul3A_31 = arith.constant 65536 : i32
    %mul3A_32 = arith.muli %arg1, %mul3A_31 : i32
    %add3A_33 = arith.constant 40960 : i32
    %add3A_34 = arith.addi %mul3A_32, %add3A_33 : i32
    "tpu.region"() ({
      %run_scoped3A = tpu.sem_alloc : memref<!tpu.dma_semaphore, #tpu.memory_space<semaphore_mem>>
      %dma_start3A = tpu.memref_slice %arg4[%add3A_34] : memref<1048832xi32, #tpu.memory_space<vmem_shared>> -> memref<8192xi32, #tpu.memory_space<vmem_shared>>
      %dma_start3A_63 = tpu.memref_slice %arg4[%add3A_34] : memref<1048832xi32, #tpu.memory_space<vmem_shared>> -> memref<8192xi32, #tpu.memory_space<vmem_shared>>
      tpu.enqueue_dma source(%arg7 : memref<8192xi32, #tpu.memory_space<vmem>>) target(%dma_start3A_63 : memref<8192xi32, #tpu.memory_space<vmem_shared>>) target_semaphore(%run_scoped3A : memref<!tpu.dma_semaphore, #tpu.memory_space<semaphore_mem>>)
      %dma_wait3A = tpu.memref_slice %arg4[%add3A_34] : memref<1048832xi32, #tpu.memory_space<vmem_shared>> -> memref<8192xi32, #tpu.memory_space<vmem_shared>>
      %dma_wait3A_64 = tpu.memref_slice %arg4[%add3A_34] : memref<1048832xi32, #tpu.memory_space<vmem_shared>> -> memref<8192xi32, #tpu.memory_space<vmem_shared>>
      tpu.wait_dma2 semaphore(%run_scoped3A : memref<!tpu.dma_semaphore, #tpu.memory_space<semaphore_mem>>) src(%arg7 : memref<8192xi32, #tpu.memory_space<vmem>>) dst(%dma_wait3A_64 : memref<8192xi32, #tpu.memory_space<vmem_shared>>)
      tpu.yield
    }) : () -> ()
    %mul3A_35 = arith.constant 65536 : i32
    %mul3A_36 = arith.muli %arg1, %mul3A_35 : i32
    %add3A_37 = arith.constant 49152 : i32
    %add3A_38 = arith.addi %mul3A_36, %add3A_37 : i32
    "tpu.region"() ({
      %run_scoped3A = tpu.sem_alloc : memref<!tpu.dma_semaphore, #tpu.memory_space<semaphore_mem>>
      %dma_start3A = tpu.memref_slice %arg4[%add3A_38] : memref<1048832xi32, #tpu.memory_space<vmem_shared>> -> memref<8192xi32, #tpu.memory_space<vmem_shared>>
      %dma_start3A_63 = tpu.memref_slice %arg4[%add3A_38] : memref<1048832xi32, #tpu.memory_space<vmem_shared>> -> memref<8192xi32, #tpu.memory_space<vmem_shared>>
      tpu.enqueue_dma source(%arg7 : memref<8192xi32, #tpu.memory_space<vmem>>) target(%dma_start3A_63 : memref<8192xi32, #tpu.memory_space<vmem_shared>>) target_semaphore(%run_scoped3A : memref<!tpu.dma_semaphore, #tpu.memory_space<semaphore_mem>>)
      %dma_wait3A = tpu.memref_slice %arg4[%add3A_38] : memref<1048832xi32, #tpu.memory_space<vmem_shared>> -> memref<8192xi32, #tpu.memory_space<vmem_shared>>
      %dma_wait3A_64 = tpu.memref_slice %arg4[%add3A_38] : memref<1048832xi32, #tpu.memory_space<vmem_shared>> -> memref<8192xi32, #tpu.memory_space<vmem_shared>>
      tpu.wait_dma2 semaphore(%run_scoped3A : memref<!tpu.dma_semaphore, #tpu.memory_space<semaphore_mem>>) src(%arg7 : memref<8192xi32, #tpu.memory_space<vmem>>) dst(%dma_wait3A_64 : memref<8192xi32, #tpu.memory_space<vmem_shared>>)
      tpu.yield
    }) : () -> ()
    %mul3A_39 = arith.constant 65536 : i32
    %mul3A_40 = arith.muli %arg1, %mul3A_39 : i32
    %add3A_41 = arith.constant 57344 : i32
    %add3A_42 = arith.addi %mul3A_40, %add3A_41 : i32
    "tpu.region"() ({
      %run_scoped3A = tpu.sem_alloc : memref<!tpu.dma_semaphore, #tpu.memory_space<semaphore_mem>>
      %dma_start3A = tpu.memref_slice %arg4[%add3A_42] : memref<1048832xi32, #tpu.memory_space<vmem_shared>> -> memref<8192xi32, #tpu.memory_space<vmem_shared>>
      %dma_start3A_63 = tpu.memref_slice %arg4[%add3A_42] : memref<1048832xi32, #tpu.memory_space<vmem_shared>> -> memref<8192xi32, #tpu.memory_space<vmem_shared>>
      tpu.enqueue_dma source(%arg7 : memref<8192xi32, #tpu.memory_space<vmem>>) target(%dma_start3A_63 : memref<8192xi32, #tpu.memory_space<vmem_shared>>) target_semaphore(%run_scoped3A : memref<!tpu.dma_semaphore, #tpu.memory_space<semaphore_mem>>)
      %dma_wait3A = tpu.memref_slice %arg4[%add3A_42] : memref<1048832xi32, #tpu.memory_space<vmem_shared>> -> memref<8192xi32, #tpu.memory_space<vmem_shared>>
      %dma_wait3A_64 = tpu.memref_slice %arg4[%add3A_42] : memref<1048832xi32, #tpu.memory_space<vmem_shared>> -> memref<8192xi32, #tpu.memory_space<vmem_shared>>
      tpu.wait_dma2 semaphore(%run_scoped3A : memref<!tpu.dma_semaphore, #tpu.memory_space<semaphore_mem>>) src(%arg7 : memref<8192xi32, #tpu.memory_space<vmem>>) dst(%dma_wait3A_64 : memref<8192xi32, #tpu.memory_space<vmem_shared>>)
      tpu.yield
    }) : () -> ()
    %eq3A = arith.constant 0 : i32
    %eq3A_43 = arith.cmpi eq, %arg1, %eq3A : i32
    %convert_element_type3A = arith.extui %eq3A_43 : i1 to i32
    %cond3A = arith.constant 0 : i32
    %cond3A_44 = arith.cmpi ne, %convert_element_type3A, %cond3A : i32
    scf.if %cond3A_44 {
      "tpu.region"() ({
        %run_scoped3A = tpu.sem_alloc : memref<!tpu.dma_semaphore, #tpu.memory_space<semaphore_mem>>
        %dma_start3A = arith.constant 0 : i32
        %dma_start3A_63 = tpu.memref_slice %arg7[%dma_start3A] : memref<8192xi32, #tpu.memory_space<vmem>> -> memref<256xi32, #tpu.memory_space<vmem>>
        %dma_start3A_64 = arith.constant 1048576 : i32
        %dma_start3A_65 = tpu.memref_slice %arg4[%dma_start3A_64] : memref<1048832xi32, #tpu.memory_space<vmem_shared>> -> memref<256xi32, #tpu.memory_space<vmem_shared>>
        %dma_start3A_66 = arith.constant 1048576 : i32
        %dma_start3A_67 = tpu.memref_slice %arg4[%dma_start3A_66] : memref<1048832xi32, #tpu.memory_space<vmem_shared>> -> memref<256xi32, #tpu.memory_space<vmem_shared>>
        %dma_start3A_68 = arith.constant 0 : i32
        %dma_start3A_69 = tpu.memref_slice %arg7[%dma_start3A_68] : memref<8192xi32, #tpu.memory_space<vmem>> -> memref<256xi32, #tpu.memory_space<vmem>>
        tpu.enqueue_dma source(%dma_start3A_69 : memref<256xi32, #tpu.memory_space<vmem>>) target(%dma_start3A_67 : memref<256xi32, #tpu.memory_space<vmem_shared>>) target_semaphore(%run_scoped3A : memref<!tpu.dma_semaphore, #tpu.memory_space<semaphore_mem>>)
        %dma_wait3A = arith.constant 0 : i32
        %dma_wait3A_70 = tpu.memref_slice %arg7[%dma_wait3A] : memref<8192xi32, #tpu.memory_space<vmem>> -> memref<256xi32, #tpu.memory_space<vmem>>
        %dma_wait3A_71 = arith.constant 1048576 : i32
        %dma_wait3A_72 = tpu.memref_slice %arg4[%dma_wait3A_71] : memref<1048832xi32, #tpu.memory_space<vmem_shared>> -> memref<256xi32, #tpu.memory_space<vmem_shared>>
        %dma_wait3A_73 = arith.constant 1048576 : i32
        %dma_wait3A_74 = tpu.memref_slice %arg4[%dma_wait3A_73] : memref<1048832xi32, #tpu.memory_space<vmem_shared>> -> memref<256xi32, #tpu.memory_space<vmem_shared>>
        %dma_wait3A_75 = arith.constant 0 : i32
        %dma_wait3A_76 = tpu.memref_slice %arg7[%dma_wait3A_75] : memref<8192xi32, #tpu.memory_space<vmem>> -> memref<256xi32, #tpu.memory_space<vmem>>
        tpu.wait_dma2 semaphore(%run_scoped3A : memref<!tpu.dma_semaphore, #tpu.memory_space<semaphore_mem>>) src(%dma_wait3A_76 : memref<256xi32, #tpu.memory_space<vmem>>) dst(%dma_wait3A_74 : memref<256xi32, #tpu.memory_space<vmem_shared>>)
        tpu.yield
      }) : () -> ()
    } else {
    }
    %barrier3A = arith.constant 0 : index
    tpu.barrier barrier_id(%barrier3A)
    %mul3A_45 = arith.constant 16 : i32
    %mul3A_46 = arith.muli %arg0, %mul3A_45 : i32
    %add3A_47 = arith.addi %mul3A_46, %arg1 : i32
    %mul3A_48 = arith.constant 32768 : i32
    %mul3A_49 = arith.muli %add3A_47, %mul3A_48 : i32
    %add3A_50 = arith.constant 0 : i32
    %add3A_51 = arith.addi %mul3A_49, %add3A_50 : i32
    "tpu.region"() ({
      %run_scoped3A = tpu.sem_alloc : memref<!tpu.dma_semaphore, #tpu.memory_space<semaphore_mem>>
      %dma_start3A = tpu.memref_slice %arg2[%add3A_51] : memref<1048576xi32, #tpu.memory_space<hbm>> -> memref<8192xi32, #tpu.memory_space<hbm>>
      %dma_start3A_63 = tpu.memref_slice %arg2[%add3A_51] : memref<1048576xi32, #tpu.memory_space<hbm>> -> memref<8192xi32, #tpu.memory_space<hbm>>
      tpu.enqueue_dma source(%dma_start3A_63 : memref<8192xi32, #tpu.memory_space<hbm>>) target(%arg5 : memref<8192xi32, #tpu.memory_space<vmem>>) target_semaphore(%run_scoped3A : memref<!tpu.dma_semaphore, #tpu.memory_space<semaphore_mem>>)
      %dma_wait3A = tpu.memref_slice %arg2[%add3A_51] : memref<1048576xi32, #tpu.memory_space<hbm>> -> memref<8192xi32, #tpu.memory_space<hbm>>
      %dma_wait3A_64 = tpu.memref_slice %arg2[%add3A_51] : memref<1048576xi32, #tpu.memory_space<hbm>> -> memref<8192xi32, #tpu.memory_space<hbm>>
      tpu.wait_dma2 semaphore(%run_scoped3A : memref<!tpu.dma_semaphore, #tpu.memory_space<semaphore_mem>>) src(%dma_wait3A_64 : memref<8192xi32, #tpu.memory_space<hbm>>) dst(%arg5 : memref<8192xi32, #tpu.memory_space<vmem>>)
      tpu.yield
    }) : () -> ()
    "tpu.region"() ({
      %run_scoped3A = tpu.sem_alloc : memref<!tpu.dma_semaphore, #tpu.memory_space<semaphore_mem>>
      %dma_start3A = arith.constant 0 : i32
      %dma_start3A_63 = tpu.memref_slice %arg4[%dma_start3A] : memref<1048832xi32, #tpu.memory_space<vmem_shared>> -> memref<1048832xi32, #tpu.memory_space<vmem_shared>>
      tpu.enqueue_indirect_dma source(%arg6 : memref<8192xi32, #tpu.memory_space<vmem>>) target(%dma_start3A_63 : memref<1048832xi32, #tpu.memory_space<vmem_shared>>) offsets(%arg5 : memref<8192xi32, #tpu.memory_space<vmem>>) semaphore(%run_scoped3A : memref<!tpu.dma_semaphore, #tpu.memory_space<semaphore_mem>>) {add = true}
      %dma_wait3A = arith.constant 0 : i32
      %dma_wait3A_64 = tpu.memref_slice %arg4[%dma_wait3A] : memref<1048832xi32, #tpu.memory_space<vmem_shared>> -> memref<1048832xi32, #tpu.memory_space<vmem_shared>>
      tpu.wait_indirect_dma semaphore(%run_scoped3A : memref<!tpu.dma_semaphore, #tpu.memory_space<semaphore_mem>>) src(%arg6 : memref<8192xi32, #tpu.memory_space<vmem>>) dst(%dma_wait3A_64 : memref<1048832xi32, #tpu.memory_space<vmem_shared>>)
      tpu.yield
    }) : () -> ()
    %add3A_52 = arith.constant 8192 : i32
    %add3A_53 = arith.addi %mul3A_49, %add3A_52 : i32
    "tpu.region"() ({
      %run_scoped3A = tpu.sem_alloc : memref<!tpu.dma_semaphore, #tpu.memory_space<semaphore_mem>>
      %dma_start3A = tpu.memref_slice %arg2[%add3A_53] : memref<1048576xi32, #tpu.memory_space<hbm>> -> memref<8192xi32, #tpu.memory_space<hbm>>
      %dma_start3A_63 = tpu.memref_slice %arg2[%add3A_53] : memref<1048576xi32, #tpu.memory_space<hbm>> -> memref<8192xi32, #tpu.memory_space<hbm>>
      tpu.enqueue_dma source(%dma_start3A_63 : memref<8192xi32, #tpu.memory_space<hbm>>) target(%arg5 : memref<8192xi32, #tpu.memory_space<vmem>>) target_semaphore(%run_scoped3A : memref<!tpu.dma_semaphore, #tpu.memory_space<semaphore_mem>>)
      %dma_wait3A = tpu.memref_slice %arg2[%add3A_53] : memref<1048576xi32, #tpu.memory_space<hbm>> -> memref<8192xi32, #tpu.memory_space<hbm>>
      %dma_wait3A_64 = tpu.memref_slice %arg2[%add3A_53] : memref<1048576xi32, #tpu.memory_space<hbm>> -> memref<8192xi32, #tpu.memory_space<hbm>>
      tpu.wait_dma2 semaphore(%run_scoped3A : memref<!tpu.dma_semaphore, #tpu.memory_space<semaphore_mem>>) src(%dma_wait3A_64 : memref<8192xi32, #tpu.memory_space<hbm>>) dst(%arg5 : memref<8192xi32, #tpu.memory_space<vmem>>)
      tpu.yield
    }) : () -> ()
    "tpu.region"() ({
      %run_scoped3A = tpu.sem_alloc : memref<!tpu.dma_semaphore, #tpu.memory_space<semaphore_mem>>
      %dma_start3A = arith.constant 0 : i32
      %dma_start3A_63 = tpu.memref_slice %arg4[%dma_start3A] : memref<1048832xi32, #tpu.memory_space<vmem_shared>> -> memref<1048832xi32, #tpu.memory_space<vmem_shared>>
      tpu.enqueue_indirect_dma source(%arg6 : memref<8192xi32, #tpu.memory_space<vmem>>) target(%dma_start3A_63 : memref<1048832xi32, #tpu.memory_space<vmem_shared>>) offsets(%arg5 : memref<8192xi32, #tpu.memory_space<vmem>>) semaphore(%run_scoped3A : memref<!tpu.dma_semaphore, #tpu.memory_space<semaphore_mem>>) {add = true}
      %dma_wait3A = arith.constant 0 : i32
      %dma_wait3A_64 = tpu.memref_slice %arg4[%dma_wait3A] : memref<1048832xi32, #tpu.memory_space<vmem_shared>> -> memref<1048832xi32, #tpu.memory_space<vmem_shared>>
      tpu.wait_indirect_dma semaphore(%run_scoped3A : memref<!tpu.dma_semaphore, #tpu.memory_space<semaphore_mem>>) src(%arg6 : memref<8192xi32, #tpu.memory_space<vmem>>) dst(%dma_wait3A_64 : memref<1048832xi32, #tpu.memory_space<vmem_shared>>)
      tpu.yield
    }) : () -> ()
    %add3A_54 = arith.constant 16384 : i32
    %add3A_55 = arith.addi %mul3A_49, %add3A_54 : i32
    "tpu.region"() ({
      %run_scoped3A = tpu.sem_alloc : memref<!tpu.dma_semaphore, #tpu.memory_space<semaphore_mem>>
      %dma_start3A = tpu.memref_slice %arg2[%add3A_55] : memref<1048576xi32, #tpu.memory_space<hbm>> -> memref<8192xi32, #tpu.memory_space<hbm>>
      %dma_start3A_63 = tpu.memref_slice %arg2[%add3A_55] : memref<1048576xi32, #tpu.memory_space<hbm>> -> memref<8192xi32, #tpu.memory_space<hbm>>
      tpu.enqueue_dma source(%dma_start3A_63 : memref<8192xi32, #tpu.memory_space<hbm>>) target(%arg5 : memref<8192xi32, #tpu.memory_space<vmem>>) target_semaphore(%run_scoped3A : memref<!tpu.dma_semaphore, #tpu.memory_space<semaphore_mem>>)
      %dma_wait3A = tpu.memref_slice %arg2[%add3A_55] : memref<1048576xi32, #tpu.memory_space<hbm>> -> memref<8192xi32, #tpu.memory_space<hbm>>
      %dma_wait3A_64 = tpu.memref_slice %arg2[%add3A_55] : memref<1048576xi32, #tpu.memory_space<hbm>> -> memref<8192xi32, #tpu.memory_space<hbm>>
      tpu.wait_dma2 semaphore(%run_scoped3A : memref<!tpu.dma_semaphore, #tpu.memory_space<semaphore_mem>>) src(%dma_wait3A_64 : memref<8192xi32, #tpu.memory_space<hbm>>) dst(%arg5 : memref<8192xi32, #tpu.memory_space<vmem>>)
      tpu.yield
    }) : () -> ()
    "tpu.region"() ({
      %run_scoped3A = tpu.sem_alloc : memref<!tpu.dma_semaphore, #tpu.memory_space<semaphore_mem>>
      %dma_start3A = arith.constant 0 : i32
      %dma_start3A_63 = tpu.memref_slice %arg4[%dma_start3A] : memref<1048832xi32, #tpu.memory_space<vmem_shared>> -> memref<1048832xi32, #tpu.memory_space<vmem_shared>>
      tpu.enqueue_indirect_dma source(%arg6 : memref<8192xi32, #tpu.memory_space<vmem>>) target(%dma_start3A_63 : memref<1048832xi32, #tpu.memory_space<vmem_shared>>) offsets(%arg5 : memref<8192xi32, #tpu.memory_space<vmem>>) semaphore(%run_scoped3A : memref<!tpu.dma_semaphore, #tpu.memory_space<semaphore_mem>>) {add = true}
      %dma_wait3A = arith.constant 0 : i32
      %dma_wait3A_64 = tpu.memref_slice %arg4[%dma_wait3A] : memref<1048832xi32, #tpu.memory_space<vmem_shared>> -> memref<1048832xi32, #tpu.memory_space<vmem_shared>>
      tpu.wait_indirect_dma semaphore(%run_scoped3A : memref<!tpu.dma_semaphore, #tpu.memory_space<semaphore_mem>>) src(%arg6 : memref<8192xi32, #tpu.memory_space<vmem>>) dst(%dma_wait3A_64 : memref<1048832xi32, #tpu.memory_space<vmem_shared>>)
      tpu.yield
    }) : () -> ()
    %add3A_56 = arith.constant 24576 : i32
    %add3A_57 = arith.addi %mul3A_49, %add3A_56 : i32
    "tpu.region"() ({
      %run_scoped3A = tpu.sem_alloc : memref<!tpu.dma_semaphore, #tpu.memory_space<semaphore_mem>>
      %dma_start3A = tpu.memref_slice %arg2[%add3A_57] : memref<1048576xi32, #tpu.memory_space<hbm>> -> memref<8192xi32, #tpu.memory_space<hbm>>
      %dma_start3A_63 = tpu.memref_slice %arg2[%add3A_57] : memref<1048576xi32, #tpu.memory_space<hbm>> -> memref<8192xi32, #tpu.memory_space<hbm>>
      tpu.enqueue_dma source(%dma_start3A_63 : memref<8192xi32, #tpu.memory_space<hbm>>) target(%arg5 : memref<8192xi32, #tpu.memory_space<vmem>>) target_semaphore(%run_scoped3A : memref<!tpu.dma_semaphore, #tpu.memory_space<semaphore_mem>>)
      %dma_wait3A = tpu.memref_slice %arg2[%add3A_57] : memref<1048576xi32, #tpu.memory_space<hbm>> -> memref<8192xi32, #tpu.memory_space<hbm>>
      %dma_wait3A_64 = tpu.memref_slice %arg2[%add3A_57] : memref<1048576xi32, #tpu.memory_space<hbm>> -> memref<8192xi32, #tpu.memory_space<hbm>>
      tpu.wait_dma2 semaphore(%run_scoped3A : memref<!tpu.dma_semaphore, #tpu.memory_space<semaphore_mem>>) src(%dma_wait3A_64 : memref<8192xi32, #tpu.memory_space<hbm>>) dst(%arg5 : memref<8192xi32, #tpu.memory_space<vmem>>)
      tpu.yield
    }) : () -> ()
    "tpu.region"() ({
      %run_scoped3A = tpu.sem_alloc : memref<!tpu.dma_semaphore, #tpu.memory_space<semaphore_mem>>
      %dma_start3A = arith.constant 0 : i32
      %dma_start3A_63 = tpu.memref_slice %arg4[%dma_start3A] : memref<1048832xi32, #tpu.memory_space<vmem_shared>> -> memref<1048832xi32, #tpu.memory_space<vmem_shared>>
      tpu.enqueue_indirect_dma source(%arg6 : memref<8192xi32, #tpu.memory_space<vmem>>) target(%dma_start3A_63 : memref<1048832xi32, #tpu.memory_space<vmem_shared>>) offsets(%arg5 : memref<8192xi32, #tpu.memory_space<vmem>>) semaphore(%run_scoped3A : memref<!tpu.dma_semaphore, #tpu.memory_space<semaphore_mem>>) {add = true}
      %dma_wait3A = arith.constant 0 : i32
      %dma_wait3A_64 = tpu.memref_slice %arg4[%dma_wait3A] : memref<1048832xi32, #tpu.memory_space<vmem_shared>> -> memref<1048832xi32, #tpu.memory_space<vmem_shared>>
      tpu.wait_indirect_dma semaphore(%run_scoped3A : memref<!tpu.dma_semaphore, #tpu.memory_space<semaphore_mem>>) src(%arg6 : memref<8192xi32, #tpu.memory_space<vmem>>) dst(%dma_wait3A_64 : memref<1048832xi32, #tpu.memory_space<vmem_shared>>)
      tpu.yield
    }) : () -> ()
    %barrier3A_58 = arith.constant 0 : index
    tpu.barrier barrier_id(%barrier3A_58)
    %mul3A_59 = arith.constant 65536 : i32
    %mul3A_60 = arith.muli %arg1, %mul3A_59 : i32
    %mul3A_61 = arith.constant 65536 : i32
    %mul3A_62 = arith.muli %arg1, %mul3A_61 : i32
    "tpu.region"() ({
      %run_scoped3A = tpu.sem_alloc : memref<!tpu.dma_semaphore, #tpu.memory_space<semaphore_mem>>
      %dma_start3A = tpu.memref_slice %arg3[%arg0, %mul3A_62] : memref<2x1048576xi32, #tpu.memory_space<hbm>> -> memref<1x65536xi32, #tpu.memory_space<hbm>>
      %dma_start3A_63 = tpu.memref_squeeze %dma_start3A : memref<1x65536xi32, #tpu.memory_space<hbm>> -> memref<65536xi32, #tpu.memory_space<hbm>>
      %dma_start3A_64 = tpu.memref_slice %arg4[%mul3A_60] : memref<1048832xi32, #tpu.memory_space<vmem_shared>> -> memref<65536xi32, #tpu.memory_space<vmem_shared>>
      tpu.enqueue_dma source(%dma_start3A_64 : memref<65536xi32, #tpu.memory_space<vmem_shared>>) target(%dma_start3A_63 : memref<65536xi32, #tpu.memory_space<hbm>>) target_semaphore(%run_scoped3A : memref<!tpu.dma_semaphore, #tpu.memory_space<semaphore_mem>>)
      %dma_wait3A = tpu.memref_slice %arg3[%arg0, %mul3A_62] : memref<2x1048576xi32, #tpu.memory_space<hbm>> -> memref<1x65536xi32, #tpu.memory_space<hbm>>
      %dma_wait3A_65 = tpu.memref_squeeze %dma_wait3A : memref<1x65536xi32, #tpu.memory_space<hbm>> -> memref<65536xi32, #tpu.memory_space<hbm>>
      %dma_wait3A_66 = tpu.memref_slice %arg4[%mul3A_60] : memref<1048832xi32, #tpu.memory_space<vmem_shared>> -> memref<65536xi32, #tpu.memory_space<vmem_shared>>
      tpu.wait_dma2 semaphore(%run_scoped3A : memref<!tpu.dma_semaphore, #tpu.memory_space<semaphore_mem>>) src(%dma_wait3A_66 : memref<65536xi32, #tpu.memory_space<vmem_shared>>) dst(%dma_wait3A_65 : memref<65536xi32, #tpu.memory_space<hbm>>)
      tpu.yield
    }) : () -> ()
    return
  }
}

#map = affine_map<(d0, d1) -> (0)>
module attributes {stable_mosaic.version = 14 : i64} {
  func.func @_gather_body(%arg0: i32, %arg1: i32, %arg2: memref<1048576xf32, #tpu.memory_space<hbm>>, %arg3: memref<1048576xf32, #tpu.memory_space<hbm>>, %arg4: memref<1048576xf32, #tpu.memory_space<hbm>>, %arg5: memref<1048576xi32, #tpu.memory_space<hbm>>, %arg6: memref<3145728xf32, #tpu.memory_space<hbm>>, %arg7: memref<8192xi32, #tpu.memory_space<vmem>>, %arg8: memref<24576xf32, #tpu.memory_space<vmem>>, %arg9: memref<!tpu.dma_semaphore, #tpu.memory_space<semaphore_mem>>) attributes {dimension_semantics = [#tpu.dimension_semantics<core_parallel>, #tpu.dimension_semantics<subcore_parallel>], iteration_bounds = array<i64: 2, 16>, scalar_prefetch = 0 : i64, scratch_operands = 3 : i64, tpu.core_type = #tpu.core_type<sc_vector_subcore>, window_params = [{transform_indices = #map}, {transform_indices = #map}, {transform_indices = #map}, {transform_indices = #map}, {transform_indices = #map}]} {
    %mul3A = arith.constant 16 : i32
    %mul3A_0 = arith.muli %arg0, %mul3A : i32
    %add3A = arith.addi %mul3A_0, %arg1 : i32
    %mul3A_1 = arith.constant 32768 : i32
    %mul3A_2 = arith.muli %add3A, %mul3A_1 : i32
    %add3A_3 = arith.constant 0 : i32
    %add3A_4 = arith.addi %mul3A_2, %add3A_3 : i32
    "tpu.region"() ({
      %run_scoped3A = tpu.sem_alloc : memref<!tpu.dma_semaphore, #tpu.memory_space<semaphore_mem>>
      %dma_start3A_129 = tpu.memref_slice %arg5[%add3A_4] : memref<1048576xi32, #tpu.memory_space<hbm>> -> memref<8192xi32, #tpu.memory_space<hbm>>
      %dma_start3A_130 = tpu.memref_slice %arg5[%add3A_4] : memref<1048576xi32, #tpu.memory_space<hbm>> -> memref<8192xi32, #tpu.memory_space<hbm>>
      tpu.enqueue_dma source(%dma_start3A_130 : memref<8192xi32, #tpu.memory_space<hbm>>) target(%arg7 : memref<8192xi32, #tpu.memory_space<vmem>>) target_semaphore(%run_scoped3A : memref<!tpu.dma_semaphore, #tpu.memory_space<semaphore_mem>>)
      %dma_wait3A_131 = tpu.memref_slice %arg5[%add3A_4] : memref<1048576xi32, #tpu.memory_space<hbm>> -> memref<8192xi32, #tpu.memory_space<hbm>>
      %dma_wait3A_132 = tpu.memref_slice %arg5[%add3A_4] : memref<1048576xi32, #tpu.memory_space<hbm>> -> memref<8192xi32, #tpu.memory_space<hbm>>
      tpu.wait_dma2 semaphore(%run_scoped3A : memref<!tpu.dma_semaphore, #tpu.memory_space<semaphore_mem>>) src(%dma_wait3A_132 : memref<8192xi32, #tpu.memory_space<hbm>>) dst(%arg7 : memref<8192xi32, #tpu.memory_space<vmem>>)
      tpu.yield
    }) : () -> ()
    %dma_start3A = arith.constant 0 : i32
    %dma_start3A_5 = tpu.memref_slice %arg8[%dma_start3A] : memref<24576xf32, #tpu.memory_space<vmem>> -> memref<8192xf32, #tpu.memory_space<vmem>>
    %dma_start3A_6 = arith.constant 0 : i32
    %dma_start3A_7 = tpu.memref_slice %arg2[%dma_start3A_6] : memref<1048576xf32, #tpu.memory_space<hbm>> -> memref<1048576xf32, #tpu.memory_space<hbm>>
    tpu.enqueue_indirect_dma source(%dma_start3A_7 : memref<1048576xf32, #tpu.memory_space<hbm>>) target(%dma_start3A_5 : memref<8192xf32, #tpu.memory_space<vmem>>) offsets(%arg7 : memref<8192xi32, #tpu.memory_space<vmem>>) semaphore(%arg9 : memref<!tpu.dma_semaphore, #tpu.memory_space<semaphore_mem>>)
    %dma_start3A_8 = arith.constant 8192 : i32
    %dma_start3A_9 = tpu.memref_slice %arg8[%dma_start3A_8] : memref<24576xf32, #tpu.memory_space<vmem>> -> memref<8192xf32, #tpu.memory_space<vmem>>
    %dma_start3A_10 = arith.constant 0 : i32
    %dma_start3A_11 = tpu.memref_slice %arg3[%dma_start3A_10] : memref<1048576xf32, #tpu.memory_space<hbm>> -> memref<1048576xf32, #tpu.memory_space<hbm>>
    tpu.enqueue_indirect_dma source(%dma_start3A_11 : memref<1048576xf32, #tpu.memory_space<hbm>>) target(%dma_start3A_9 : memref<8192xf32, #tpu.memory_space<vmem>>) offsets(%arg7 : memref<8192xi32, #tpu.memory_space<vmem>>) semaphore(%arg9 : memref<!tpu.dma_semaphore, #tpu.memory_space<semaphore_mem>>)
    %dma_start3A_12 = arith.constant 16384 : i32
    %dma_start3A_13 = tpu.memref_slice %arg8[%dma_start3A_12] : memref<24576xf32, #tpu.memory_space<vmem>> -> memref<8192xf32, #tpu.memory_space<vmem>>
    %dma_start3A_14 = arith.constant 0 : i32
    %dma_start3A_15 = tpu.memref_slice %arg4[%dma_start3A_14] : memref<1048576xf32, #tpu.memory_space<hbm>> -> memref<1048576xf32, #tpu.memory_space<hbm>>
    tpu.enqueue_indirect_dma source(%dma_start3A_15 : memref<1048576xf32, #tpu.memory_space<hbm>>) target(%dma_start3A_13 : memref<8192xf32, #tpu.memory_space<vmem>>) offsets(%arg7 : memref<8192xi32, #tpu.memory_space<vmem>>) semaphore(%arg9 : memref<!tpu.dma_semaphore, #tpu.memory_space<semaphore_mem>>)
    %dma_wait3A = arith.constant 0 : i32
    %dma_wait3A_16 = tpu.memref_slice %arg8[%dma_wait3A] : memref<24576xf32, #tpu.memory_space<vmem>> -> memref<8192xf32, #tpu.memory_space<vmem>>
    %dma_wait3A_17 = arith.constant 0 : i32
    %dma_wait3A_18 = tpu.memref_slice %arg2[%dma_wait3A_17] : memref<1048576xf32, #tpu.memory_space<hbm>> -> memref<1048576xf32, #tpu.memory_space<hbm>>
    tpu.wait_indirect_dma semaphore(%arg9 : memref<!tpu.dma_semaphore, #tpu.memory_space<semaphore_mem>>) src(%dma_wait3A_18 : memref<1048576xf32, #tpu.memory_space<hbm>>) dst(%dma_wait3A_16 : memref<8192xf32, #tpu.memory_space<vmem>>)
    %dma_wait3A_19 = arith.constant 8192 : i32
    %dma_wait3A_20 = tpu.memref_slice %arg8[%dma_wait3A_19] : memref<24576xf32, #tpu.memory_space<vmem>> -> memref<8192xf32, #tpu.memory_space<vmem>>
    %dma_wait3A_21 = arith.constant 0 : i32
    %dma_wait3A_22 = tpu.memref_slice %arg3[%dma_wait3A_21] : memref<1048576xf32, #tpu.memory_space<hbm>> -> memref<1048576xf32, #tpu.memory_space<hbm>>
    tpu.wait_indirect_dma semaphore(%arg9 : memref<!tpu.dma_semaphore, #tpu.memory_space<semaphore_mem>>) src(%dma_wait3A_22 : memref<1048576xf32, #tpu.memory_space<hbm>>) dst(%dma_wait3A_20 : memref<8192xf32, #tpu.memory_space<vmem>>)
    %dma_wait3A_23 = arith.constant 16384 : i32
    %dma_wait3A_24 = tpu.memref_slice %arg8[%dma_wait3A_23] : memref<24576xf32, #tpu.memory_space<vmem>> -> memref<8192xf32, #tpu.memory_space<vmem>>
    %dma_wait3A_25 = arith.constant 0 : i32
    %dma_wait3A_26 = tpu.memref_slice %arg4[%dma_wait3A_25] : memref<1048576xf32, #tpu.memory_space<hbm>> -> memref<1048576xf32, #tpu.memory_space<hbm>>
    tpu.wait_indirect_dma semaphore(%arg9 : memref<!tpu.dma_semaphore, #tpu.memory_space<semaphore_mem>>) src(%dma_wait3A_26 : memref<1048576xf32, #tpu.memory_space<hbm>>) dst(%dma_wait3A_24 : memref<8192xf32, #tpu.memory_space<vmem>>)
    %add3A_27 = arith.constant 0 : i32
    %add3A_28 = arith.addi %add3A_27, %add3A_4 : i32
    "tpu.region"() ({
      %run_scoped3A = tpu.sem_alloc : memref<!tpu.dma_semaphore, #tpu.memory_space<semaphore_mem>>
      %dma_start3A_129 = arith.constant 0 : i32
      %dma_start3A_130 = tpu.memref_slice %arg8[%dma_start3A_129] : memref<24576xf32, #tpu.memory_space<vmem>> -> memref<8192xf32, #tpu.memory_space<vmem>>
      %dma_start3A_131 = tpu.memref_slice %arg6[%add3A_28] : memref<3145728xf32, #tpu.memory_space<hbm>> -> memref<8192xf32, #tpu.memory_space<hbm>>
      %dma_start3A_132 = tpu.memref_slice %arg6[%add3A_28] : memref<3145728xf32, #tpu.memory_space<hbm>> -> memref<8192xf32, #tpu.memory_space<hbm>>
      %dma_start3A_133 = arith.constant 0 : i32
      %dma_start3A_134 = tpu.memref_slice %arg8[%dma_start3A_133] : memref<24576xf32, #tpu.memory_space<vmem>> -> memref<8192xf32, #tpu.memory_space<vmem>>
      tpu.enqueue_dma source(%dma_start3A_134 : memref<8192xf32, #tpu.memory_space<vmem>>) target(%dma_start3A_132 : memref<8192xf32, #tpu.memory_space<hbm>>) target_semaphore(%run_scoped3A : memref<!tpu.dma_semaphore, #tpu.memory_space<semaphore_mem>>)
      %dma_wait3A_135 = arith.constant 0 : i32
      %dma_wait3A_136 = tpu.memref_slice %arg8[%dma_wait3A_135] : memref<24576xf32, #tpu.memory_space<vmem>> -> memref<8192xf32, #tpu.memory_space<vmem>>
      %dma_wait3A_137 = tpu.memref_slice %arg6[%add3A_28] : memref<3145728xf32, #tpu.memory_space<hbm>> -> memref<8192xf32, #tpu.memory_space<hbm>>
      %dma_wait3A_138 = tpu.memref_slice %arg6[%add3A_28] : memref<3145728xf32, #tpu.memory_space<hbm>> -> memref<8192xf32, #tpu.memory_space<hbm>>
      %dma_wait3A_139 = arith.constant 0 : i32
      %dma_wait3A_140 = tpu.memref_slice %arg8[%dma_wait3A_139] : memref<24576xf32, #tpu.memory_space<vmem>> -> memref<8192xf32, #tpu.memory_space<vmem>>
      tpu.wait_dma2 semaphore(%run_scoped3A : memref<!tpu.dma_semaphore, #tpu.memory_space<semaphore_mem>>) src(%dma_wait3A_140 : memref<8192xf32, #tpu.memory_space<vmem>>) dst(%dma_wait3A_138 : memref<8192xf32, #tpu.memory_space<hbm>>)
      tpu.yield
    }) : () -> ()
    %add3A_29 = arith.constant 1048576 : i32
    %add3A_30 = arith.addi %add3A_29, %add3A_4 : i32
    "tpu.region"() ({
      %run_scoped3A = tpu.sem_alloc : memref<!tpu.dma_semaphore, #tpu.memory_space<semaphore_mem>>
      %dma_start3A_129 = arith.constant 8192 : i32
      %dma_start3A_130 = tpu.memref_slice %arg8[%dma_start3A_129] : memref<24576xf32, #tpu.memory_space<vmem>> -> memref<8192xf32, #tpu.memory_space<vmem>>
      %dma_start3A_131 = tpu.memref_slice %arg6[%add3A_30] : memref<3145728xf32, #tpu.memory_space<hbm>> -> memref<8192xf32, #tpu.memory_space<hbm>>
      %dma_start3A_132 = tpu.memref_slice %arg6[%add3A_30] : memref<3145728xf32, #tpu.memory_space<hbm>> -> memref<8192xf32, #tpu.memory_space<hbm>>
      %dma_start3A_133 = arith.constant 8192 : i32
      %dma_start3A_134 = tpu.memref_slice %arg8[%dma_start3A_133] : memref<24576xf32, #tpu.memory_space<vmem>> -> memref<8192xf32, #tpu.memory_space<vmem>>
      tpu.enqueue_dma source(%dma_start3A_134 : memref<8192xf32, #tpu.memory_space<vmem>>) target(%dma_start3A_132 : memref<8192xf32, #tpu.memory_space<hbm>>) target_semaphore(%run_scoped3A : memref<!tpu.dma_semaphore, #tpu.memory_space<semaphore_mem>>)
      %dma_wait3A_135 = arith.constant 8192 : i32
      %dma_wait3A_136 = tpu.memref_slice %arg8[%dma_wait3A_135] : memref<24576xf32, #tpu.memory_space<vmem>> -> memref<8192xf32, #tpu.memory_space<vmem>>
      %dma_wait3A_137 = tpu.memref_slice %arg6[%add3A_30] : memref<3145728xf32, #tpu.memory_space<hbm>> -> memref<8192xf32, #tpu.memory_space<hbm>>
      %dma_wait3A_138 = tpu.memref_slice %arg6[%add3A_30] : memref<3145728xf32, #tpu.memory_space<hbm>> -> memref<8192xf32, #tpu.memory_space<hbm>>
      %dma_wait3A_139 = arith.constant 8192 : i32
      %dma_wait3A_140 = tpu.memref_slice %arg8[%dma_wait3A_139] : memref<24576xf32, #tpu.memory_space<vmem>> -> memref<8192xf32, #tpu.memory_space<vmem>>
      tpu.wait_dma2 semaphore(%run_scoped3A : memref<!tpu.dma_semaphore, #tpu.memory_space<semaphore_mem>>) src(%dma_wait3A_140 : memref<8192xf32, #tpu.memory_space<vmem>>) dst(%dma_wait3A_138 : memref<8192xf32, #tpu.memory_space<hbm>>)
      tpu.yield
    }) : () -> ()
    %add3A_31 = arith.constant 2097152 : i32
    %add3A_32 = arith.addi %add3A_31, %add3A_4 : i32
    "tpu.region"() ({
      %run_scoped3A = tpu.sem_alloc : memref<!tpu.dma_semaphore, #tpu.memory_space<semaphore_mem>>
      %dma_start3A_129 = arith.constant 16384 : i32
      %dma_start3A_130 = tpu.memref_slice %arg8[%dma_start3A_129] : memref<24576xf32, #tpu.memory_space<vmem>> -> memref<8192xf32, #tpu.memory_space<vmem>>
      %dma_start3A_131 = tpu.memref_slice %arg6[%add3A_32] : memref<3145728xf32, #tpu.memory_space<hbm>> -> memref<8192xf32, #tpu.memory_space<hbm>>
      %dma_start3A_132 = tpu.memref_slice %arg6[%add3A_32] : memref<3145728xf32, #tpu.memory_space<hbm>> -> memref<8192xf32, #tpu.memory_space<hbm>>
      %dma_start3A_133 = arith.constant 16384 : i32
      %dma_start3A_134 = tpu.memref_slice %arg8[%dma_start3A_133] : memref<24576xf32, #tpu.memory_space<vmem>> -> memref<8192xf32, #tpu.memory_space<vmem>>
      tpu.enqueue_dma source(%dma_start3A_134 : memref<8192xf32, #tpu.memory_space<vmem>>) target(%dma_start3A_132 : memref<8192xf32, #tpu.memory_space<hbm>>) target_semaphore(%run_scoped3A : memref<!tpu.dma_semaphore, #tpu.memory_space<semaphore_mem>>)
      %dma_wait3A_135 = arith.constant 16384 : i32
      %dma_wait3A_136 = tpu.memref_slice %arg8[%dma_wait3A_135] : memref<24576xf32, #tpu.memory_space<vmem>> -> memref<8192xf32, #tpu.memory_space<vmem>>
      %dma_wait3A_137 = tpu.memref_slice %arg6[%add3A_32] : memref<3145728xf32, #tpu.memory_space<hbm>> -> memref<8192xf32, #tpu.memory_space<hbm>>
      %dma_wait3A_138 = tpu.memref_slice %arg6[%add3A_32] : memref<3145728xf32, #tpu.memory_space<hbm>> -> memref<8192xf32, #tpu.memory_space<hbm>>
      %dma_wait3A_139 = arith.constant 16384 : i32
      %dma_wait3A_140 = tpu.memref_slice %arg8[%dma_wait3A_139] : memref<24576xf32, #tpu.memory_space<vmem>> -> memref<8192xf32, #tpu.memory_space<vmem>>
      tpu.wait_dma2 semaphore(%run_scoped3A : memref<!tpu.dma_semaphore, #tpu.memory_space<semaphore_mem>>) src(%dma_wait3A_140 : memref<8192xf32, #tpu.memory_space<vmem>>) dst(%dma_wait3A_138 : memref<8192xf32, #tpu.memory_space<hbm>>)
      tpu.yield
    }) : () -> ()
    %add3A_33 = arith.constant 8192 : i32
    %add3A_34 = arith.addi %mul3A_2, %add3A_33 : i32
    "tpu.region"() ({
      %run_scoped3A = tpu.sem_alloc : memref<!tpu.dma_semaphore, #tpu.memory_space<semaphore_mem>>
      %dma_start3A_129 = tpu.memref_slice %arg5[%add3A_34] : memref<1048576xi32, #tpu.memory_space<hbm>> -> memref<8192xi32, #tpu.memory_space<hbm>>
      %dma_start3A_130 = tpu.memref_slice %arg5[%add3A_34] : memref<1048576xi32, #tpu.memory_space<hbm>> -> memref<8192xi32, #tpu.memory_space<hbm>>
      tpu.enqueue_dma source(%dma_start3A_130 : memref<8192xi32, #tpu.memory_space<hbm>>) target(%arg7 : memref<8192xi32, #tpu.memory_space<vmem>>) target_semaphore(%run_scoped3A : memref<!tpu.dma_semaphore, #tpu.memory_space<semaphore_mem>>)
      %dma_wait3A_131 = tpu.memref_slice %arg5[%add3A_34] : memref<1048576xi32, #tpu.memory_space<hbm>> -> memref<8192xi32, #tpu.memory_space<hbm>>
      %dma_wait3A_132 = tpu.memref_slice %arg5[%add3A_34] : memref<1048576xi32, #tpu.memory_space<hbm>> -> memref<8192xi32, #tpu.memory_space<hbm>>
      tpu.wait_dma2 semaphore(%run_scoped3A : memref<!tpu.dma_semaphore, #tpu.memory_space<semaphore_mem>>) src(%dma_wait3A_132 : memref<8192xi32, #tpu.memory_space<hbm>>) dst(%arg7 : memref<8192xi32, #tpu.memory_space<vmem>>)
      tpu.yield
    }) : () -> ()
    %dma_start3A_35 = arith.constant 0 : i32
    %dma_start3A_36 = tpu.memref_slice %arg8[%dma_start3A_35] : memref<24576xf32, #tpu.memory_space<vmem>> -> memref<8192xf32, #tpu.memory_space<vmem>>
    %dma_start3A_37 = arith.constant 0 : i32
    %dma_start3A_38 = tpu.memref_slice %arg2[%dma_start3A_37] : memref<1048576xf32, #tpu.memory_space<hbm>> -> memref<1048576xf32, #tpu.memory_space<hbm>>
    tpu.enqueue_indirect_dma source(%dma_start3A_38 : memref<1048576xf32, #tpu.memory_space<hbm>>) target(%dma_start3A_36 : memref<8192xf32, #tpu.memory_space<vmem>>) offsets(%arg7 : memref<8192xi32, #tpu.memory_space<vmem>>) semaphore(%arg9 : memref<!tpu.dma_semaphore, #tpu.memory_space<semaphore_mem>>)
    %dma_start3A_39 = arith.constant 8192 : i32
    %dma_start3A_40 = tpu.memref_slice %arg8[%dma_start3A_39] : memref<24576xf32, #tpu.memory_space<vmem>> -> memref<8192xf32, #tpu.memory_space<vmem>>
    %dma_start3A_41 = arith.constant 0 : i32
    %dma_start3A_42 = tpu.memref_slice %arg3[%dma_start3A_41] : memref<1048576xf32, #tpu.memory_space<hbm>> -> memref<1048576xf32, #tpu.memory_space<hbm>>
    tpu.enqueue_indirect_dma source(%dma_start3A_42 : memref<1048576xf32, #tpu.memory_space<hbm>>) target(%dma_start3A_40 : memref<8192xf32, #tpu.memory_space<vmem>>) offsets(%arg7 : memref<8192xi32, #tpu.memory_space<vmem>>) semaphore(%arg9 : memref<!tpu.dma_semaphore, #tpu.memory_space<semaphore_mem>>)
    %dma_start3A_43 = arith.constant 16384 : i32
    %dma_start3A_44 = tpu.memref_slice %arg8[%dma_start3A_43] : memref<24576xf32, #tpu.memory_space<vmem>> -> memref<8192xf32, #tpu.memory_space<vmem>>
    %dma_start3A_45 = arith.constant 0 : i32
    %dma_start3A_46 = tpu.memref_slice %arg4[%dma_start3A_45] : memref<1048576xf32, #tpu.memory_space<hbm>> -> memref<1048576xf32, #tpu.memory_space<hbm>>
    tpu.enqueue_indirect_dma source(%dma_start3A_46 : memref<1048576xf32, #tpu.memory_space<hbm>>) target(%dma_start3A_44 : memref<8192xf32, #tpu.memory_space<vmem>>) offsets(%arg7 : memref<8192xi32, #tpu.memory_space<vmem>>) semaphore(%arg9 : memref<!tpu.dma_semaphore, #tpu.memory_space<semaphore_mem>>)
    %dma_wait3A_47 = arith.constant 0 : i32
    %dma_wait3A_48 = tpu.memref_slice %arg8[%dma_wait3A_47] : memref<24576xf32, #tpu.memory_space<vmem>> -> memref<8192xf32, #tpu.memory_space<vmem>>
    %dma_wait3A_49 = arith.constant 0 : i32
    %dma_wait3A_50 = tpu.memref_slice %arg2[%dma_wait3A_49] : memref<1048576xf32, #tpu.memory_space<hbm>> -> memref<1048576xf32, #tpu.memory_space<hbm>>
    tpu.wait_indirect_dma semaphore(%arg9 : memref<!tpu.dma_semaphore, #tpu.memory_space<semaphore_mem>>) src(%dma_wait3A_50 : memref<1048576xf32, #tpu.memory_space<hbm>>) dst(%dma_wait3A_48 : memref<8192xf32, #tpu.memory_space<vmem>>)
    %dma_wait3A_51 = arith.constant 8192 : i32
    %dma_wait3A_52 = tpu.memref_slice %arg8[%dma_wait3A_51] : memref<24576xf32, #tpu.memory_space<vmem>> -> memref<8192xf32, #tpu.memory_space<vmem>>
    %dma_wait3A_53 = arith.constant 0 : i32
    %dma_wait3A_54 = tpu.memref_slice %arg3[%dma_wait3A_53] : memref<1048576xf32, #tpu.memory_space<hbm>> -> memref<1048576xf32, #tpu.memory_space<hbm>>
    tpu.wait_indirect_dma semaphore(%arg9 : memref<!tpu.dma_semaphore, #tpu.memory_space<semaphore_mem>>) src(%dma_wait3A_54 : memref<1048576xf32, #tpu.memory_space<hbm>>) dst(%dma_wait3A_52 : memref<8192xf32, #tpu.memory_space<vmem>>)
    %dma_wait3A_55 = arith.constant 16384 : i32
    %dma_wait3A_56 = tpu.memref_slice %arg8[%dma_wait3A_55] : memref<24576xf32, #tpu.memory_space<vmem>> -> memref<8192xf32, #tpu.memory_space<vmem>>
    %dma_wait3A_57 = arith.constant 0 : i32
    %dma_wait3A_58 = tpu.memref_slice %arg4[%dma_wait3A_57] : memref<1048576xf32, #tpu.memory_space<hbm>> -> memref<1048576xf32, #tpu.memory_space<hbm>>
    tpu.wait_indirect_dma semaphore(%arg9 : memref<!tpu.dma_semaphore, #tpu.memory_space<semaphore_mem>>) src(%dma_wait3A_58 : memref<1048576xf32, #tpu.memory_space<hbm>>) dst(%dma_wait3A_56 : memref<8192xf32, #tpu.memory_space<vmem>>)
    %add3A_59 = arith.constant 0 : i32
    %add3A_60 = arith.addi %add3A_59, %add3A_34 : i32
    "tpu.region"() ({
      %run_scoped3A = tpu.sem_alloc : memref<!tpu.dma_semaphore, #tpu.memory_space<semaphore_mem>>
      %dma_start3A_129 = arith.constant 0 : i32
      %dma_start3A_130 = tpu.memref_slice %arg8[%dma_start3A_129] : memref<24576xf32, #tpu.memory_space<vmem>> -> memref<8192xf32, #tpu.memory_space<vmem>>
      %dma_start3A_131 = tpu.memref_slice %arg6[%add3A_60] : memref<3145728xf32, #tpu.memory_space<hbm>> -> memref<8192xf32, #tpu.memory_space<hbm>>
      %dma_start3A_132 = tpu.memref_slice %arg6[%add3A_60] : memref<3145728xf32, #tpu.memory_space<hbm>> -> memref<8192xf32, #tpu.memory_space<hbm>>
      %dma_start3A_133 = arith.constant 0 : i32
      %dma_start3A_134 = tpu.memref_slice %arg8[%dma_start3A_133] : memref<24576xf32, #tpu.memory_space<vmem>> -> memref<8192xf32, #tpu.memory_space<vmem>>
      tpu.enqueue_dma source(%dma_start3A_134 : memref<8192xf32, #tpu.memory_space<vmem>>) target(%dma_start3A_132 : memref<8192xf32, #tpu.memory_space<hbm>>) target_semaphore(%run_scoped3A : memref<!tpu.dma_semaphore, #tpu.memory_space<semaphore_mem>>)
      %dma_wait3A_135 = arith.constant 0 : i32
      %dma_wait3A_136 = tpu.memref_slice %arg8[%dma_wait3A_135] : memref<24576xf32, #tpu.memory_space<vmem>> -> memref<8192xf32, #tpu.memory_space<vmem>>
      %dma_wait3A_137 = tpu.memref_slice %arg6[%add3A_60] : memref<3145728xf32, #tpu.memory_space<hbm>> -> memref<8192xf32, #tpu.memory_space<hbm>>
      %dma_wait3A_138 = tpu.memref_slice %arg6[%add3A_60] : memref<3145728xf32, #tpu.memory_space<hbm>> -> memref<8192xf32, #tpu.memory_space<hbm>>
      %dma_wait3A_139 = arith.constant 0 : i32
      %dma_wait3A_140 = tpu.memref_slice %arg8[%dma_wait3A_139] : memref<24576xf32, #tpu.memory_space<vmem>> -> memref<8192xf32, #tpu.memory_space<vmem>>
      tpu.wait_dma2 semaphore(%run_scoped3A : memref<!tpu.dma_semaphore, #tpu.memory_space<semaphore_mem>>) src(%dma_wait3A_140 : memref<8192xf32, #tpu.memory_space<vmem>>) dst(%dma_wait3A_138 : memref<8192xf32, #tpu.memory_space<hbm>>)
      tpu.yield
    }) : () -> ()
    %add3A_61 = arith.constant 1048576 : i32
    %add3A_62 = arith.addi %add3A_61, %add3A_34 : i32
    "tpu.region"() ({
      %run_scoped3A = tpu.sem_alloc : memref<!tpu.dma_semaphore, #tpu.memory_space<semaphore_mem>>
      %dma_start3A_129 = arith.constant 8192 : i32
      %dma_start3A_130 = tpu.memref_slice %arg8[%dma_start3A_129] : memref<24576xf32, #tpu.memory_space<vmem>> -> memref<8192xf32, #tpu.memory_space<vmem>>
      %dma_start3A_131 = tpu.memref_slice %arg6[%add3A_62] : memref<3145728xf32, #tpu.memory_space<hbm>> -> memref<8192xf32, #tpu.memory_space<hbm>>
      %dma_start3A_132 = tpu.memref_slice %arg6[%add3A_62] : memref<3145728xf32, #tpu.memory_space<hbm>> -> memref<8192xf32, #tpu.memory_space<hbm>>
      %dma_start3A_133 = arith.constant 8192 : i32
      %dma_start3A_134 = tpu.memref_slice %arg8[%dma_start3A_133] : memref<24576xf32, #tpu.memory_space<vmem>> -> memref<8192xf32, #tpu.memory_space<vmem>>
      tpu.enqueue_dma source(%dma_start3A_134 : memref<8192xf32, #tpu.memory_space<vmem>>) target(%dma_start3A_132 : memref<8192xf32, #tpu.memory_space<hbm>>) target_semaphore(%run_scoped3A : memref<!tpu.dma_semaphore, #tpu.memory_space<semaphore_mem>>)
      %dma_wait3A_135 = arith.constant 8192 : i32
      %dma_wait3A_136 = tpu.memref_slice %arg8[%dma_wait3A_135] : memref<24576xf32, #tpu.memory_space<vmem>> -> memref<8192xf32, #tpu.memory_space<vmem>>
      %dma_wait3A_137 = tpu.memref_slice %arg6[%add3A_62] : memref<3145728xf32, #tpu.memory_space<hbm>> -> memref<8192xf32, #tpu.memory_space<hbm>>
      %dma_wait3A_138 = tpu.memref_slice %arg6[%add3A_62] : memref<3145728xf32, #tpu.memory_space<hbm>> -> memref<8192xf32, #tpu.memory_space<hbm>>
      %dma_wait3A_139 = arith.constant 8192 : i32
      %dma_wait3A_140 = tpu.memref_slice %arg8[%dma_wait3A_139] : memref<24576xf32, #tpu.memory_space<vmem>> -> memref<8192xf32, #tpu.memory_space<vmem>>
      tpu.wait_dma2 semaphore(%run_scoped3A : memref<!tpu.dma_semaphore, #tpu.memory_space<semaphore_mem>>) src(%dma_wait3A_140 : memref<8192xf32, #tpu.memory_space<vmem>>) dst(%dma_wait3A_138 : memref<8192xf32, #tpu.memory_space<hbm>>)
      tpu.yield
    }) : () -> ()
    %add3A_63 = arith.constant 2097152 : i32
    %add3A_64 = arith.addi %add3A_63, %add3A_34 : i32
    "tpu.region"() ({
      %run_scoped3A = tpu.sem_alloc : memref<!tpu.dma_semaphore, #tpu.memory_space<semaphore_mem>>
      %dma_start3A_129 = arith.constant 16384 : i32
      %dma_start3A_130 = tpu.memref_slice %arg8[%dma_start3A_129] : memref<24576xf32, #tpu.memory_space<vmem>> -> memref<8192xf32, #tpu.memory_space<vmem>>
      %dma_start3A_131 = tpu.memref_slice %arg6[%add3A_64] : memref<3145728xf32, #tpu.memory_space<hbm>> -> memref<8192xf32, #tpu.memory_space<hbm>>
      %dma_start3A_132 = tpu.memref_slice %arg6[%add3A_64] : memref<3145728xf32, #tpu.memory_space<hbm>> -> memref<8192xf32, #tpu.memory_space<hbm>>
      %dma_start3A_133 = arith.constant 16384 : i32
      %dma_start3A_134 = tpu.memref_slice %arg8[%dma_start3A_133] : memref<24576xf32, #tpu.memory_space<vmem>> -> memref<8192xf32, #tpu.memory_space<vmem>>
      tpu.enqueue_dma source(%dma_start3A_134 : memref<8192xf32, #tpu.memory_space<vmem>>) target(%dma_start3A_132 : memref<8192xf32, #tpu.memory_space<hbm>>) target_semaphore(%run_scoped3A : memref<!tpu.dma_semaphore, #tpu.memory_space<semaphore_mem>>)
      %dma_wait3A_135 = arith.constant 16384 : i32
      %dma_wait3A_136 = tpu.memref_slice %arg8[%dma_wait3A_135] : memref<24576xf32, #tpu.memory_space<vmem>> -> memref<8192xf32, #tpu.memory_space<vmem>>
      %dma_wait3A_137 = tpu.memref_slice %arg6[%add3A_64] : memref<3145728xf32, #tpu.memory_space<hbm>> -> memref<8192xf32, #tpu.memory_space<hbm>>
      %dma_wait3A_138 = tpu.memref_slice %arg6[%add3A_64] : memref<3145728xf32, #tpu.memory_space<hbm>> -> memref<8192xf32, #tpu.memory_space<hbm>>
      %dma_wait3A_139 = arith.constant 16384 : i32
      %dma_wait3A_140 = tpu.memref_slice %arg8[%dma_wait3A_139] : memref<24576xf32, #tpu.memory_space<vmem>> -> memref<8192xf32, #tpu.memory_space<vmem>>
      tpu.wait_dma2 semaphore(%run_scoped3A : memref<!tpu.dma_semaphore, #tpu.memory_space<semaphore_mem>>) src(%dma_wait3A_140 : memref<8192xf32, #tpu.memory_space<vmem>>) dst(%dma_wait3A_138 : memref<8192xf32, #tpu.memory_space<hbm>>)
      tpu.yield
    }) : () -> ()
    %add3A_65 = arith.constant 16384 : i32
    %add3A_66 = arith.addi %mul3A_2, %add3A_65 : i32
    "tpu.region"() ({
      %run_scoped3A = tpu.sem_alloc : memref<!tpu.dma_semaphore, #tpu.memory_space<semaphore_mem>>
      %dma_start3A_129 = tpu.memref_slice %arg5[%add3A_66] : memref<1048576xi32, #tpu.memory_space<hbm>> -> memref<8192xi32, #tpu.memory_space<hbm>>
      %dma_start3A_130 = tpu.memref_slice %arg5[%add3A_66] : memref<1048576xi32, #tpu.memory_space<hbm>> -> memref<8192xi32, #tpu.memory_space<hbm>>
      tpu.enqueue_dma source(%dma_start3A_130 : memref<8192xi32, #tpu.memory_space<hbm>>) target(%arg7 : memref<8192xi32, #tpu.memory_space<vmem>>) target_semaphore(%run_scoped3A : memref<!tpu.dma_semaphore, #tpu.memory_space<semaphore_mem>>)
      %dma_wait3A_131 = tpu.memref_slice %arg5[%add3A_66] : memref<1048576xi32, #tpu.memory_space<hbm>> -> memref<8192xi32, #tpu.memory_space<hbm>>
      %dma_wait3A_132 = tpu.memref_slice %arg5[%add3A_66] : memref<1048576xi32, #tpu.memory_space<hbm>> -> memref<8192xi32, #tpu.memory_space<hbm>>
      tpu.wait_dma2 semaphore(%run_scoped3A : memref<!tpu.dma_semaphore, #tpu.memory_space<semaphore_mem>>) src(%dma_wait3A_132 : memref<8192xi32, #tpu.memory_space<hbm>>) dst(%arg7 : memref<8192xi32, #tpu.memory_space<vmem>>)
      tpu.yield
    }) : () -> ()
    %dma_start3A_67 = arith.constant 0 : i32
    %dma_start3A_68 = tpu.memref_slice %arg8[%dma_start3A_67] : memref<24576xf32, #tpu.memory_space<vmem>> -> memref<8192xf32, #tpu.memory_space<vmem>>
    %dma_start3A_69 = arith.constant 0 : i32
    %dma_start3A_70 = tpu.memref_slice %arg2[%dma_start3A_69] : memref<1048576xf32, #tpu.memory_space<hbm>> -> memref<1048576xf32, #tpu.memory_space<hbm>>
    tpu.enqueue_indirect_dma source(%dma_start3A_70 : memref<1048576xf32, #tpu.memory_space<hbm>>) target(%dma_start3A_68 : memref<8192xf32, #tpu.memory_space<vmem>>) offsets(%arg7 : memref<8192xi32, #tpu.memory_space<vmem>>) semaphore(%arg9 : memref<!tpu.dma_semaphore, #tpu.memory_space<semaphore_mem>>)
    %dma_start3A_71 = arith.constant 8192 : i32
    %dma_start3A_72 = tpu.memref_slice %arg8[%dma_start3A_71] : memref<24576xf32, #tpu.memory_space<vmem>> -> memref<8192xf32, #tpu.memory_space<vmem>>
    %dma_start3A_73 = arith.constant 0 : i32
    %dma_start3A_74 = tpu.memref_slice %arg3[%dma_start3A_73] : memref<1048576xf32, #tpu.memory_space<hbm>> -> memref<1048576xf32, #tpu.memory_space<hbm>>
    tpu.enqueue_indirect_dma source(%dma_start3A_74 : memref<1048576xf32, #tpu.memory_space<hbm>>) target(%dma_start3A_72 : memref<8192xf32, #tpu.memory_space<vmem>>) offsets(%arg7 : memref<8192xi32, #tpu.memory_space<vmem>>) semaphore(%arg9 : memref<!tpu.dma_semaphore, #tpu.memory_space<semaphore_mem>>)
    %dma_start3A_75 = arith.constant 16384 : i32
    %dma_start3A_76 = tpu.memref_slice %arg8[%dma_start3A_75] : memref<24576xf32, #tpu.memory_space<vmem>> -> memref<8192xf32, #tpu.memory_space<vmem>>
    %dma_start3A_77 = arith.constant 0 : i32
    %dma_start3A_78 = tpu.memref_slice %arg4[%dma_start3A_77] : memref<1048576xf32, #tpu.memory_space<hbm>> -> memref<1048576xf32, #tpu.memory_space<hbm>>
    tpu.enqueue_indirect_dma source(%dma_start3A_78 : memref<1048576xf32, #tpu.memory_space<hbm>>) target(%dma_start3A_76 : memref<8192xf32, #tpu.memory_space<vmem>>) offsets(%arg7 : memref<8192xi32, #tpu.memory_space<vmem>>) semaphore(%arg9 : memref<!tpu.dma_semaphore, #tpu.memory_space<semaphore_mem>>)
    %dma_wait3A_79 = arith.constant 0 : i32
    %dma_wait3A_80 = tpu.memref_slice %arg8[%dma_wait3A_79] : memref<24576xf32, #tpu.memory_space<vmem>> -> memref<8192xf32, #tpu.memory_space<vmem>>
    %dma_wait3A_81 = arith.constant 0 : i32
    %dma_wait3A_82 = tpu.memref_slice %arg2[%dma_wait3A_81] : memref<1048576xf32, #tpu.memory_space<hbm>> -> memref<1048576xf32, #tpu.memory_space<hbm>>
    tpu.wait_indirect_dma semaphore(%arg9 : memref<!tpu.dma_semaphore, #tpu.memory_space<semaphore_mem>>) src(%dma_wait3A_82 : memref<1048576xf32, #tpu.memory_space<hbm>>) dst(%dma_wait3A_80 : memref<8192xf32, #tpu.memory_space<vmem>>)
    %dma_wait3A_83 = arith.constant 8192 : i32
    %dma_wait3A_84 = tpu.memref_slice %arg8[%dma_wait3A_83] : memref<24576xf32, #tpu.memory_space<vmem>> -> memref<8192xf32, #tpu.memory_space<vmem>>
    %dma_wait3A_85 = arith.constant 0 : i32
    %dma_wait3A_86 = tpu.memref_slice %arg3[%dma_wait3A_85] : memref<1048576xf32, #tpu.memory_space<hbm>> -> memref<1048576xf32, #tpu.memory_space<hbm>>
    tpu.wait_indirect_dma semaphore(%arg9 : memref<!tpu.dma_semaphore, #tpu.memory_space<semaphore_mem>>) src(%dma_wait3A_86 : memref<1048576xf32, #tpu.memory_space<hbm>>) dst(%dma_wait3A_84 : memref<8192xf32, #tpu.memory_space<vmem>>)
    %dma_wait3A_87 = arith.constant 16384 : i32
    %dma_wait3A_88 = tpu.memref_slice %arg8[%dma_wait3A_87] : memref<24576xf32, #tpu.memory_space<vmem>> -> memref<8192xf32, #tpu.memory_space<vmem>>
    %dma_wait3A_89 = arith.constant 0 : i32
    %dma_wait3A_90 = tpu.memref_slice %arg4[%dma_wait3A_89] : memref<1048576xf32, #tpu.memory_space<hbm>> -> memref<1048576xf32, #tpu.memory_space<hbm>>
    tpu.wait_indirect_dma semaphore(%arg9 : memref<!tpu.dma_semaphore, #tpu.memory_space<semaphore_mem>>) src(%dma_wait3A_90 : memref<1048576xf32, #tpu.memory_space<hbm>>) dst(%dma_wait3A_88 : memref<8192xf32, #tpu.memory_space<vmem>>)
    %add3A_91 = arith.constant 0 : i32
    %add3A_92 = arith.addi %add3A_91, %add3A_66 : i32
    "tpu.region"() ({
      %run_scoped3A = tpu.sem_alloc : memref<!tpu.dma_semaphore, #tpu.memory_space<semaphore_mem>>
      %dma_start3A_129 = arith.constant 0 : i32
      %dma_start3A_130 = tpu.memref_slice %arg8[%dma_start3A_129] : memref<24576xf32, #tpu.memory_space<vmem>> -> memref<8192xf32, #tpu.memory_space<vmem>>
      %dma_start3A_131 = tpu.memref_slice %arg6[%add3A_92] : memref<3145728xf32, #tpu.memory_space<hbm>> -> memref<8192xf32, #tpu.memory_space<hbm>>
      %dma_start3A_132 = tpu.memref_slice %arg6[%add3A_92] : memref<3145728xf32, #tpu.memory_space<hbm>> -> memref<8192xf32, #tpu.memory_space<hbm>>
      %dma_start3A_133 = arith.constant 0 : i32
      %dma_start3A_134 = tpu.memref_slice %arg8[%dma_start3A_133] : memref<24576xf32, #tpu.memory_space<vmem>> -> memref<8192xf32, #tpu.memory_space<vmem>>
      tpu.enqueue_dma source(%dma_start3A_134 : memref<8192xf32, #tpu.memory_space<vmem>>) target(%dma_start3A_132 : memref<8192xf32, #tpu.memory_space<hbm>>) target_semaphore(%run_scoped3A : memref<!tpu.dma_semaphore, #tpu.memory_space<semaphore_mem>>)
      %dma_wait3A_135 = arith.constant 0 : i32
      %dma_wait3A_136 = tpu.memref_slice %arg8[%dma_wait3A_135] : memref<24576xf32, #tpu.memory_space<vmem>> -> memref<8192xf32, #tpu.memory_space<vmem>>
      %dma_wait3A_137 = tpu.memref_slice %arg6[%add3A_92] : memref<3145728xf32, #tpu.memory_space<hbm>> -> memref<8192xf32, #tpu.memory_space<hbm>>
      %dma_wait3A_138 = tpu.memref_slice %arg6[%add3A_92] : memref<3145728xf32, #tpu.memory_space<hbm>> -> memref<8192xf32, #tpu.memory_space<hbm>>
      %dma_wait3A_139 = arith.constant 0 : i32
      %dma_wait3A_140 = tpu.memref_slice %arg8[%dma_wait3A_139] : memref<24576xf32, #tpu.memory_space<vmem>> -> memref<8192xf32, #tpu.memory_space<vmem>>
      tpu.wait_dma2 semaphore(%run_scoped3A : memref<!tpu.dma_semaphore, #tpu.memory_space<semaphore_mem>>) src(%dma_wait3A_140 : memref<8192xf32, #tpu.memory_space<vmem>>) dst(%dma_wait3A_138 : memref<8192xf32, #tpu.memory_space<hbm>>)
      tpu.yield
    }) : () -> ()
    %add3A_93 = arith.constant 1048576 : i32
    %add3A_94 = arith.addi %add3A_93, %add3A_66 : i32
    "tpu.region"() ({
      %run_scoped3A = tpu.sem_alloc : memref<!tpu.dma_semaphore, #tpu.memory_space<semaphore_mem>>
      %dma_start3A_129 = arith.constant 8192 : i32
      %dma_start3A_130 = tpu.memref_slice %arg8[%dma_start3A_129] : memref<24576xf32, #tpu.memory_space<vmem>> -> memref<8192xf32, #tpu.memory_space<vmem>>
      %dma_start3A_131 = tpu.memref_slice %arg6[%add3A_94] : memref<3145728xf32, #tpu.memory_space<hbm>> -> memref<8192xf32, #tpu.memory_space<hbm>>
      %dma_start3A_132 = tpu.memref_slice %arg6[%add3A_94] : memref<3145728xf32, #tpu.memory_space<hbm>> -> memref<8192xf32, #tpu.memory_space<hbm>>
      %dma_start3A_133 = arith.constant 8192 : i32
      %dma_start3A_134 = tpu.memref_slice %arg8[%dma_start3A_133] : memref<24576xf32, #tpu.memory_space<vmem>> -> memref<8192xf32, #tpu.memory_space<vmem>>
      tpu.enqueue_dma source(%dma_start3A_134 : memref<8192xf32, #tpu.memory_space<vmem>>) target(%dma_start3A_132 : memref<8192xf32, #tpu.memory_space<hbm>>) target_semaphore(%run_scoped3A : memref<!tpu.dma_semaphore, #tpu.memory_space<semaphore_mem>>)
      %dma_wait3A_135 = arith.constant 8192 : i32
      %dma_wait3A_136 = tpu.memref_slice %arg8[%dma_wait3A_135] : memref<24576xf32, #tpu.memory_space<vmem>> -> memref<8192xf32, #tpu.memory_space<vmem>>
      %dma_wait3A_137 = tpu.memref_slice %arg6[%add3A_94] : memref<3145728xf32, #tpu.memory_space<hbm>> -> memref<8192xf32, #tpu.memory_space<hbm>>
      %dma_wait3A_138 = tpu.memref_slice %arg6[%add3A_94] : memref<3145728xf32, #tpu.memory_space<hbm>> -> memref<8192xf32, #tpu.memory_space<hbm>>
      %dma_wait3A_139 = arith.constant 8192 : i32
      %dma_wait3A_140 = tpu.memref_slice %arg8[%dma_wait3A_139] : memref<24576xf32, #tpu.memory_space<vmem>> -> memref<8192xf32, #tpu.memory_space<vmem>>
      tpu.wait_dma2 semaphore(%run_scoped3A : memref<!tpu.dma_semaphore, #tpu.memory_space<semaphore_mem>>) src(%dma_wait3A_140 : memref<8192xf32, #tpu.memory_space<vmem>>) dst(%dma_wait3A_138 : memref<8192xf32, #tpu.memory_space<hbm>>)
      tpu.yield
    }) : () -> ()
    %add3A_95 = arith.constant 2097152 : i32
    %add3A_96 = arith.addi %add3A_95, %add3A_66 : i32
    "tpu.region"() ({
      %run_scoped3A = tpu.sem_alloc : memref<!tpu.dma_semaphore, #tpu.memory_space<semaphore_mem>>
      %dma_start3A_129 = arith.constant 16384 : i32
      %dma_start3A_130 = tpu.memref_slice %arg8[%dma_start3A_129] : memref<24576xf32, #tpu.memory_space<vmem>> -> memref<8192xf32, #tpu.memory_space<vmem>>
      %dma_start3A_131 = tpu.memref_slice %arg6[%add3A_96] : memref<3145728xf32, #tpu.memory_space<hbm>> -> memref<8192xf32, #tpu.memory_space<hbm>>
      %dma_start3A_132 = tpu.memref_slice %arg6[%add3A_96] : memref<3145728xf32, #tpu.memory_space<hbm>> -> memref<8192xf32, #tpu.memory_space<hbm>>
      %dma_start3A_133 = arith.constant 16384 : i32
      %dma_start3A_134 = tpu.memref_slice %arg8[%dma_start3A_133] : memref<24576xf32, #tpu.memory_space<vmem>> -> memref<8192xf32, #tpu.memory_space<vmem>>
      tpu.enqueue_dma source(%dma_start3A_134 : memref<8192xf32, #tpu.memory_space<vmem>>) target(%dma_start3A_132 : memref<8192xf32, #tpu.memory_space<hbm>>) target_semaphore(%run_scoped3A : memref<!tpu.dma_semaphore, #tpu.memory_space<semaphore_mem>>)
      %dma_wait3A_135 = arith.constant 16384 : i32
      %dma_wait3A_136 = tpu.memref_slice %arg8[%dma_wait3A_135] : memref<24576xf32, #tpu.memory_space<vmem>> -> memref<8192xf32, #tpu.memory_space<vmem>>
      %dma_wait3A_137 = tpu.memref_slice %arg6[%add3A_96] : memref<3145728xf32, #tpu.memory_space<hbm>> -> memref<8192xf32, #tpu.memory_space<hbm>>
      %dma_wait3A_138 = tpu.memref_slice %arg6[%add3A_96] : memref<3145728xf32, #tpu.memory_space<hbm>> -> memref<8192xf32, #tpu.memory_space<hbm>>
      %dma_wait3A_139 = arith.constant 16384 : i32
      %dma_wait3A_140 = tpu.memref_slice %arg8[%dma_wait3A_139] : memref<24576xf32, #tpu.memory_space<vmem>> -> memref<8192xf32, #tpu.memory_space<vmem>>
      tpu.wait_dma2 semaphore(%run_scoped3A : memref<!tpu.dma_semaphore, #tpu.memory_space<semaphore_mem>>) src(%dma_wait3A_140 : memref<8192xf32, #tpu.memory_space<vmem>>) dst(%dma_wait3A_138 : memref<8192xf32, #tpu.memory_space<hbm>>)
      tpu.yield
    }) : () -> ()
    %add3A_97 = arith.constant 24576 : i32
    %add3A_98 = arith.addi %mul3A_2, %add3A_97 : i32
    "tpu.region"() ({
      %run_scoped3A = tpu.sem_alloc : memref<!tpu.dma_semaphore, #tpu.memory_space<semaphore_mem>>
      %dma_start3A_129 = tpu.memref_slice %arg5[%add3A_98] : memref<1048576xi32, #tpu.memory_space<hbm>> -> memref<8192xi32, #tpu.memory_space<hbm>>
      %dma_start3A_130 = tpu.memref_slice %arg5[%add3A_98] : memref<1048576xi32, #tpu.memory_space<hbm>> -> memref<8192xi32, #tpu.memory_space<hbm>>
      tpu.enqueue_dma source(%dma_start3A_130 : memref<8192xi32, #tpu.memory_space<hbm>>) target(%arg7 : memref<8192xi32, #tpu.memory_space<vmem>>) target_semaphore(%run_scoped3A : memref<!tpu.dma_semaphore, #tpu.memory_space<semaphore_mem>>)
      %dma_wait3A_131 = tpu.memref_slice %arg5[%add3A_98] : memref<1048576xi32, #tpu.memory_space<hbm>> -> memref<8192xi32, #tpu.memory_space<hbm>>
      %dma_wait3A_132 = tpu.memref_slice %arg5[%add3A_98] : memref<1048576xi32, #tpu.memory_space<hbm>> -> memref<8192xi32, #tpu.memory_space<hbm>>
      tpu.wait_dma2 semaphore(%run_scoped3A : memref<!tpu.dma_semaphore, #tpu.memory_space<semaphore_mem>>) src(%dma_wait3A_132 : memref<8192xi32, #tpu.memory_space<hbm>>) dst(%arg7 : memref<8192xi32, #tpu.memory_space<vmem>>)
      tpu.yield
    }) : () -> ()
    %dma_start3A_99 = arith.constant 0 : i32
    %dma_start3A_100 = tpu.memref_slice %arg8[%dma_start3A_99] : memref<24576xf32, #tpu.memory_space<vmem>> -> memref<8192xf32, #tpu.memory_space<vmem>>
    %dma_start3A_101 = arith.constant 0 : i32
    %dma_start3A_102 = tpu.memref_slice %arg2[%dma_start3A_101] : memref<1048576xf32, #tpu.memory_space<hbm>> -> memref<1048576xf32, #tpu.memory_space<hbm>>
    tpu.enqueue_indirect_dma source(%dma_start3A_102 : memref<1048576xf32, #tpu.memory_space<hbm>>) target(%dma_start3A_100 : memref<8192xf32, #tpu.memory_space<vmem>>) offsets(%arg7 : memref<8192xi32, #tpu.memory_space<vmem>>) semaphore(%arg9 : memref<!tpu.dma_semaphore, #tpu.memory_space<semaphore_mem>>)
    %dma_start3A_103 = arith.constant 8192 : i32
    %dma_start3A_104 = tpu.memref_slice %arg8[%dma_start3A_103] : memref<24576xf32, #tpu.memory_space<vmem>> -> memref<8192xf32, #tpu.memory_space<vmem>>
    %dma_start3A_105 = arith.constant 0 : i32
    %dma_start3A_106 = tpu.memref_slice %arg3[%dma_start3A_105] : memref<1048576xf32, #tpu.memory_space<hbm>> -> memref<1048576xf32, #tpu.memory_space<hbm>>
    tpu.enqueue_indirect_dma source(%dma_start3A_106 : memref<1048576xf32, #tpu.memory_space<hbm>>) target(%dma_start3A_104 : memref<8192xf32, #tpu.memory_space<vmem>>) offsets(%arg7 : memref<8192xi32, #tpu.memory_space<vmem>>) semaphore(%arg9 : memref<!tpu.dma_semaphore, #tpu.memory_space<semaphore_mem>>)
    %dma_start3A_107 = arith.constant 16384 : i32
    %dma_start3A_108 = tpu.memref_slice %arg8[%dma_start3A_107] : memref<24576xf32, #tpu.memory_space<vmem>> -> memref<8192xf32, #tpu.memory_space<vmem>>
    %dma_start3A_109 = arith.constant 0 : i32
    %dma_start3A_110 = tpu.memref_slice %arg4[%dma_start3A_109] : memref<1048576xf32, #tpu.memory_space<hbm>> -> memref<1048576xf32, #tpu.memory_space<hbm>>
    tpu.enqueue_indirect_dma source(%dma_start3A_110 : memref<1048576xf32, #tpu.memory_space<hbm>>) target(%dma_start3A_108 : memref<8192xf32, #tpu.memory_space<vmem>>) offsets(%arg7 : memref<8192xi32, #tpu.memory_space<vmem>>) semaphore(%arg9 : memref<!tpu.dma_semaphore, #tpu.memory_space<semaphore_mem>>)
    %dma_wait3A_111 = arith.constant 0 : i32
    %dma_wait3A_112 = tpu.memref_slice %arg8[%dma_wait3A_111] : memref<24576xf32, #tpu.memory_space<vmem>> -> memref<8192xf32, #tpu.memory_space<vmem>>
    %dma_wait3A_113 = arith.constant 0 : i32
    %dma_wait3A_114 = tpu.memref_slice %arg2[%dma_wait3A_113] : memref<1048576xf32, #tpu.memory_space<hbm>> -> memref<1048576xf32, #tpu.memory_space<hbm>>
    tpu.wait_indirect_dma semaphore(%arg9 : memref<!tpu.dma_semaphore, #tpu.memory_space<semaphore_mem>>) src(%dma_wait3A_114 : memref<1048576xf32, #tpu.memory_space<hbm>>) dst(%dma_wait3A_112 : memref<8192xf32, #tpu.memory_space<vmem>>)
    %dma_wait3A_115 = arith.constant 8192 : i32
    %dma_wait3A_116 = tpu.memref_slice %arg8[%dma_wait3A_115] : memref<24576xf32, #tpu.memory_space<vmem>> -> memref<8192xf32, #tpu.memory_space<vmem>>
    %dma_wait3A_117 = arith.constant 0 : i32
    %dma_wait3A_118 = tpu.memref_slice %arg3[%dma_wait3A_117] : memref<1048576xf32, #tpu.memory_space<hbm>> -> memref<1048576xf32, #tpu.memory_space<hbm>>
    tpu.wait_indirect_dma semaphore(%arg9 : memref<!tpu.dma_semaphore, #tpu.memory_space<semaphore_mem>>) src(%dma_wait3A_118 : memref<1048576xf32, #tpu.memory_space<hbm>>) dst(%dma_wait3A_116 : memref<8192xf32, #tpu.memory_space<vmem>>)
    %dma_wait3A_119 = arith.constant 16384 : i32
    %dma_wait3A_120 = tpu.memref_slice %arg8[%dma_wait3A_119] : memref<24576xf32, #tpu.memory_space<vmem>> -> memref<8192xf32, #tpu.memory_space<vmem>>
    %dma_wait3A_121 = arith.constant 0 : i32
    %dma_wait3A_122 = tpu.memref_slice %arg4[%dma_wait3A_121] : memref<1048576xf32, #tpu.memory_space<hbm>> -> memref<1048576xf32, #tpu.memory_space<hbm>>
    tpu.wait_indirect_dma semaphore(%arg9 : memref<!tpu.dma_semaphore, #tpu.memory_space<semaphore_mem>>) src(%dma_wait3A_122 : memref<1048576xf32, #tpu.memory_space<hbm>>) dst(%dma_wait3A_120 : memref<8192xf32, #tpu.memory_space<vmem>>)
    %add3A_123 = arith.constant 0 : i32
    %add3A_124 = arith.addi %add3A_123, %add3A_98 : i32
    "tpu.region"() ({
      %run_scoped3A = tpu.sem_alloc : memref<!tpu.dma_semaphore, #tpu.memory_space<semaphore_mem>>
      %dma_start3A_129 = arith.constant 0 : i32
      %dma_start3A_130 = tpu.memref_slice %arg8[%dma_start3A_129] : memref<24576xf32, #tpu.memory_space<vmem>> -> memref<8192xf32, #tpu.memory_space<vmem>>
      %dma_start3A_131 = tpu.memref_slice %arg6[%add3A_124] : memref<3145728xf32, #tpu.memory_space<hbm>> -> memref<8192xf32, #tpu.memory_space<hbm>>
      %dma_start3A_132 = tpu.memref_slice %arg6[%add3A_124] : memref<3145728xf32, #tpu.memory_space<hbm>> -> memref<8192xf32, #tpu.memory_space<hbm>>
      %dma_start3A_133 = arith.constant 0 : i32
      %dma_start3A_134 = tpu.memref_slice %arg8[%dma_start3A_133] : memref<24576xf32, #tpu.memory_space<vmem>> -> memref<8192xf32, #tpu.memory_space<vmem>>
      tpu.enqueue_dma source(%dma_start3A_134 : memref<8192xf32, #tpu.memory_space<vmem>>) target(%dma_start3A_132 : memref<8192xf32, #tpu.memory_space<hbm>>) target_semaphore(%run_scoped3A : memref<!tpu.dma_semaphore, #tpu.memory_space<semaphore_mem>>)
      %dma_wait3A_135 = arith.constant 0 : i32
      %dma_wait3A_136 = tpu.memref_slice %arg8[%dma_wait3A_135] : memref<24576xf32, #tpu.memory_space<vmem>> -> memref<8192xf32, #tpu.memory_space<vmem>>
      %dma_wait3A_137 = tpu.memref_slice %arg6[%add3A_124] : memref<3145728xf32, #tpu.memory_space<hbm>> -> memref<8192xf32, #tpu.memory_space<hbm>>
      %dma_wait3A_138 = tpu.memref_slice %arg6[%add3A_124] : memref<3145728xf32, #tpu.memory_space<hbm>> -> memref<8192xf32, #tpu.memory_space<hbm>>
      %dma_wait3A_139 = arith.constant 0 : i32
      %dma_wait3A_140 = tpu.memref_slice %arg8[%dma_wait3A_139] : memref<24576xf32, #tpu.memory_space<vmem>> -> memref<8192xf32, #tpu.memory_space<vmem>>
      tpu.wait_dma2 semaphore(%run_scoped3A : memref<!tpu.dma_semaphore, #tpu.memory_space<semaphore_mem>>) src(%dma_wait3A_140 : memref<8192xf32, #tpu.memory_space<vmem>>) dst(%dma_wait3A_138 : memref<8192xf32, #tpu.memory_space<hbm>>)
      tpu.yield
    }) : () -> ()
    %add3A_125 = arith.constant 1048576 : i32
    %add3A_126 = arith.addi %add3A_125, %add3A_98 : i32
    "tpu.region"() ({
      %run_scoped3A = tpu.sem_alloc : memref<!tpu.dma_semaphore, #tpu.memory_space<semaphore_mem>>
      %dma_start3A_129 = arith.constant 8192 : i32
      %dma_start3A_130 = tpu.memref_slice %arg8[%dma_start3A_129] : memref<24576xf32, #tpu.memory_space<vmem>> -> memref<8192xf32, #tpu.memory_space<vmem>>
      %dma_start3A_131 = tpu.memref_slice %arg6[%add3A_126] : memref<3145728xf32, #tpu.memory_space<hbm>> -> memref<8192xf32, #tpu.memory_space<hbm>>
      %dma_start3A_132 = tpu.memref_slice %arg6[%add3A_126] : memref<3145728xf32, #tpu.memory_space<hbm>> -> memref<8192xf32, #tpu.memory_space<hbm>>
      %dma_start3A_133 = arith.constant 8192 : i32
      %dma_start3A_134 = tpu.memref_slice %arg8[%dma_start3A_133] : memref<24576xf32, #tpu.memory_space<vmem>> -> memref<8192xf32, #tpu.memory_space<vmem>>
      tpu.enqueue_dma source(%dma_start3A_134 : memref<8192xf32, #tpu.memory_space<vmem>>) target(%dma_start3A_132 : memref<8192xf32, #tpu.memory_space<hbm>>) target_semaphore(%run_scoped3A : memref<!tpu.dma_semaphore, #tpu.memory_space<semaphore_mem>>)
      %dma_wait3A_135 = arith.constant 8192 : i32
      %dma_wait3A_136 = tpu.memref_slice %arg8[%dma_wait3A_135] : memref<24576xf32, #tpu.memory_space<vmem>> -> memref<8192xf32, #tpu.memory_space<vmem>>
      %dma_wait3A_137 = tpu.memref_slice %arg6[%add3A_126] : memref<3145728xf32, #tpu.memory_space<hbm>> -> memref<8192xf32, #tpu.memory_space<hbm>>
      %dma_wait3A_138 = tpu.memref_slice %arg6[%add3A_126] : memref<3145728xf32, #tpu.memory_space<hbm>> -> memref<8192xf32, #tpu.memory_space<hbm>>
      %dma_wait3A_139 = arith.constant 8192 : i32
      %dma_wait3A_140 = tpu.memref_slice %arg8[%dma_wait3A_139] : memref<24576xf32, #tpu.memory_space<vmem>> -> memref<8192xf32, #tpu.memory_space<vmem>>
      tpu.wait_dma2 semaphore(%run_scoped3A : memref<!tpu.dma_semaphore, #tpu.memory_space<semaphore_mem>>) src(%dma_wait3A_140 : memref<8192xf32, #tpu.memory_space<vmem>>) dst(%dma_wait3A_138 : memref<8192xf32, #tpu.memory_space<hbm>>)
      tpu.yield
    }) : () -> ()
    %add3A_127 = arith.constant 2097152 : i32
    %add3A_128 = arith.addi %add3A_127, %add3A_98 : i32
    "tpu.region"() ({
      %run_scoped3A = tpu.sem_alloc : memref<!tpu.dma_semaphore, #tpu.memory_space<semaphore_mem>>
      %dma_start3A_129 = arith.constant 16384 : i32
      %dma_start3A_130 = tpu.memref_slice %arg8[%dma_start3A_129] : memref<24576xf32, #tpu.memory_space<vmem>> -> memref<8192xf32, #tpu.memory_space<vmem>>
      %dma_start3A_131 = tpu.memref_slice %arg6[%add3A_128] : memref<3145728xf32, #tpu.memory_space<hbm>> -> memref<8192xf32, #tpu.memory_space<hbm>>
      %dma_start3A_132 = tpu.memref_slice %arg6[%add3A_128] : memref<3145728xf32, #tpu.memory_space<hbm>> -> memref<8192xf32, #tpu.memory_space<hbm>>
      %dma_start3A_133 = arith.constant 16384 : i32
      %dma_start3A_134 = tpu.memref_slice %arg8[%dma_start3A_133] : memref<24576xf32, #tpu.memory_space<vmem>> -> memref<8192xf32, #tpu.memory_space<vmem>>
      tpu.enqueue_dma source(%dma_start3A_134 : memref<8192xf32, #tpu.memory_space<vmem>>) target(%dma_start3A_132 : memref<8192xf32, #tpu.memory_space<hbm>>) target_semaphore(%run_scoped3A : memref<!tpu.dma_semaphore, #tpu.memory_space<semaphore_mem>>)
      %dma_wait3A_135 = arith.constant 16384 : i32
      %dma_wait3A_136 = tpu.memref_slice %arg8[%dma_wait3A_135] : memref<24576xf32, #tpu.memory_space<vmem>> -> memref<8192xf32, #tpu.memory_space<vmem>>
      %dma_wait3A_137 = tpu.memref_slice %arg6[%add3A_128] : memref<3145728xf32, #tpu.memory_space<hbm>> -> memref<8192xf32, #tpu.memory_space<hbm>>
      %dma_wait3A_138 = tpu.memref_slice %arg6[%add3A_128] : memref<3145728xf32, #tpu.memory_space<hbm>> -> memref<8192xf32, #tpu.memory_space<hbm>>
      %dma_wait3A_139 = arith.constant 16384 : i32
      %dma_wait3A_140 = tpu.memref_slice %arg8[%dma_wait3A_139] : memref<24576xf32, #tpu.memory_space<vmem>> -> memref<8192xf32, #tpu.memory_space<vmem>>
      tpu.wait_dma2 semaphore(%run_scoped3A : memref<!tpu.dma_semaphore, #tpu.memory_space<semaphore_mem>>) src(%dma_wait3A_140 : memref<8192xf32, #tpu.memory_space<vmem>>) dst(%dma_wait3A_138 : memref<8192xf32, #tpu.memory_space<hbm>>)
      tpu.yield
    }) : () -> ()
    return
  }
}

module attributes {stable_mosaic.version = 14 : i64} {
  func.func @_count_kernel(%arg0: i32, %arg1: memref<512x128xf32, #tpu.memory_space<vmem>>, %arg2: memref<512x1xf32, #tpu.memory_space<vmem>>, %arg3: memref<1x1xf32, #tpu.memory_space<vmem>>, %arg4: memref<512x128xi32, #tpu.memory_space<vmem>>) attributes {dimension_semantics = [#tpu.dimension_semantics<arbitrary>], iteration_bounds = array<i64: 16>, scalar_prefetch = 0 : i64, scratch_operands = 0 : i64, tpu.core_type = #tpu.core_type<tc>, window_params = [{transform_indices = @transform_0, window_bounds = array<i64: 512, 128>}, {transform_indices = @transform_1, window_bounds = array<i64: 512, 1>}, {pipeline_mode = #tpu.pipeline_mode<synchronous>, transform_indices = @transform_2, window_bounds = array<i64: 1, 1>}, {transform_indices = @transform_3, window_bounds = array<i64: 512, 128>}]} {
    %get3A = arith.constant 0 : index
    %get3A_0 = arith.constant 0 : index
    %get3A_1 = vector.load %arg1[%get3A, %get3A_0] : memref<512x128xf32, #tpu.memory_space<vmem>>, vector<512x128xf32>
    %iota3A = tpu.iota {dimensions = array<i32: 1>} : vector<512x128xi32>
    %iota3A_2 = tpu.iota {dimensions = array<i32: 0>} : vector<128x128xi32>
    %iota3A_3 = tpu.iota {dimensions = array<i32: 1>} : vector<128x128xi32>
    %shift_right_arithmetic3A = arith.constant 0 : i32
    %shift_right_arithmetic3A_4 = vector.broadcast %shift_right_arithmetic3A : i32 to vector<128x128xi32>
    %shift_right_arithmetic3A_5 = arith.shrsi %iota3A_3, %shift_right_arithmetic3A_4 : vector<128x128xi32>
    %or3A = arith.constant 1 : i32
    %or3A_6 = vector.broadcast %or3A : i32 to vector<128x128xi32>
    %or3A_7 = arith.ori %shift_right_arithmetic3A_5, %or3A_6 : vector<128x128xi32>
    %shift_left3A = arith.constant 0 : i32
    %shift_left3A_8 = vector.broadcast %shift_left3A : i32 to vector<128x128xi32>
    %shift_left3A_9 = arith.shli %or3A_7, %shift_left3A_8 : vector<128x128xi32>
    %eq3A = arith.cmpi eq, %iota3A_2, %shift_left3A_9 : vector<128x128xi32>
    %convert_element_type3A = arith.extui %eq3A : vector<128x128xi1> to vector<128x128xi32>
    %convert_element_type3A_10 = arith.sitofp %convert_element_type3A : vector<128x128xi32> to vector<128x128xf32>
    %dot_general3A = arith.constant dense<0.000000e+00> : vector<512x128xf32>
    %dot_general3A_11 = tpu.matmul %get3A_1, %convert_element_type3A_10, %dot_general3A {dimension_numbers = #tpu.dot_dimension_numbers<[1], [0], [0], [1], [0, 0, 1, 1], [], []>, precision = #tpu.contract_precision<fp32>, transpose_lhs_hint = false} : vector<512x128xf32>, vector<128x128xf32>, vector<512x128xf32> -> vector<512x128xf32>
    %and3A = arith.constant 1 : i32
    %and3A_12 = vector.broadcast %and3A : i32 to vector<512x128xi32>
    %and3A_13 = arith.andi %iota3A, %and3A_12 : vector<512x128xi32>
    %eq3A_14 = arith.constant 0 : i32
    %eq3A_15 = vector.broadcast %eq3A_14 : i32 to vector<512x128xi32>
    %eq3A_16 = arith.cmpi eq, %and3A_13, %eq3A_15 : vector<512x128xi32>
    %min3A = arith.minimumf %get3A_1, %dot_general3A_11 : vector<512x128xf32>
    %select_n3A = arith.select %eq3A_16, %min3A, %get3A_1 : vector<512x128xi1>, vector<512x128xf32>
    %shift_right_arithmetic3A_17 = arith.constant 1 : i32
    %shift_right_arithmetic3A_18 = vector.broadcast %shift_right_arithmetic3A_17 : i32 to vector<128x128xi32>
    %shift_right_arithmetic3A_19 = arith.shrsi %iota3A_3, %shift_right_arithmetic3A_18 : vector<128x128xi32>
    %or3A_20 = arith.constant 1 : i32
    %or3A_21 = vector.broadcast %or3A_20 : i32 to vector<128x128xi32>
    %or3A_22 = arith.ori %shift_right_arithmetic3A_19, %or3A_21 : vector<128x128xi32>
    %shift_left3A_23 = arith.constant 1 : i32
    %shift_left3A_24 = vector.broadcast %shift_left3A_23 : i32 to vector<128x128xi32>
    %shift_left3A_25 = arith.shli %or3A_22, %shift_left3A_24 : vector<128x128xi32>
    %eq3A_26 = arith.cmpi eq, %iota3A_2, %shift_left3A_25 : vector<128x128xi32>
    %convert_element_type3A_27 = arith.extui %eq3A_26 : vector<128x128xi1> to vector<128x128xi32>
    %convert_element_type3A_28 = arith.sitofp %convert_element_type3A_27 : vector<128x128xi32> to vector<128x128xf32>
    %dot_general3A_29 = arith.constant dense<0.000000e+00> : vector<512x128xf32>
    %dot_general3A_30 = tpu.matmul %get3A_1, %convert_element_type3A_28, %dot_general3A_29 {dimension_numbers = #tpu.dot_dimension_numbers<[1], [0], [0], [1], [0, 0, 1, 1], [], []>, precision = #tpu.contract_precision<fp32>, transpose_lhs_hint = false} : vector<512x128xf32>, vector<128x128xf32>, vector<512x128xf32> -> vector<512x128xf32>
    %and3A_31 = arith.constant 2 : i32
    %and3A_32 = vector.broadcast %and3A_31 : i32 to vector<512x128xi32>
    %and3A_33 = arith.andi %iota3A, %and3A_32 : vector<512x128xi32>
    %eq3A_34 = arith.constant 0 : i32
    %eq3A_35 = vector.broadcast %eq3A_34 : i32 to vector<512x128xi32>
    %eq3A_36 = arith.cmpi eq, %and3A_33, %eq3A_35 : vector<512x128xi32>
    %min3A_37 = arith.minimumf %select_n3A, %dot_general3A_30 : vector<512x128xf32>
    %select_n3A_38 = arith.select %eq3A_36, %min3A_37, %select_n3A : vector<512x128xi1>, vector<512x128xf32>
    %shift_right_arithmetic3A_39 = arith.constant 2 : i32
    %shift_right_arithmetic3A_40 = vector.broadcast %shift_right_arithmetic3A_39 : i32 to vector<128x128xi32>
    %shift_right_arithmetic3A_41 = arith.shrsi %iota3A_3, %shift_right_arithmetic3A_40 : vector<128x128xi32>
    %or3A_42 = arith.constant 1 : i32
    %or3A_43 = vector.broadcast %or3A_42 : i32 to vector<128x128xi32>
    %or3A_44 = arith.ori %shift_right_arithmetic3A_41, %or3A_43 : vector<128x128xi32>
    %shift_left3A_45 = arith.constant 2 : i32
    %shift_left3A_46 = vector.broadcast %shift_left3A_45 : i32 to vector<128x128xi32>
    %shift_left3A_47 = arith.shli %or3A_44, %shift_left3A_46 : vector<128x128xi32>
    %eq3A_48 = arith.cmpi eq, %iota3A_2, %shift_left3A_47 : vector<128x128xi32>
    %convert_element_type3A_49 = arith.extui %eq3A_48 : vector<128x128xi1> to vector<128x128xi32>
    %convert_element_type3A_50 = arith.sitofp %convert_element_type3A_49 : vector<128x128xi32> to vector<128x128xf32>
    %dot_general3A_51 = arith.constant dense<0.000000e+00> : vector<512x128xf32>
    %dot_general3A_52 = tpu.matmul %get3A_1, %convert_element_type3A_50, %dot_general3A_51 {dimension_numbers = #tpu.dot_dimension_numbers<[1], [0], [0], [1], [0, 0, 1, 1], [], []>, precision = #tpu.contract_precision<fp32>, transpose_lhs_hint = false} : vector<512x128xf32>, vector<128x128xf32>, vector<512x128xf32> -> vector<512x128xf32>
    %and3A_53 = arith.constant 4 : i32
    %and3A_54 = vector.broadcast %and3A_53 : i32 to vector<512x128xi32>
    %and3A_55 = arith.andi %iota3A, %and3A_54 : vector<512x128xi32>
    %eq3A_56 = arith.constant 0 : i32
    %eq3A_57 = vector.broadcast %eq3A_56 : i32 to vector<512x128xi32>
    %eq3A_58 = arith.cmpi eq, %and3A_55, %eq3A_57 : vector<512x128xi32>
    %min3A_59 = arith.minimumf %select_n3A_38, %dot_general3A_52 : vector<512x128xf32>
    %select_n3A_60 = arith.select %eq3A_58, %min3A_59, %select_n3A_38 : vector<512x128xi1>, vector<512x128xf32>
    %shift_right_arithmetic3A_61 = arith.constant 3 : i32
    %shift_right_arithmetic3A_62 = vector.broadcast %shift_right_arithmetic3A_61 : i32 to vector<128x128xi32>
    %shift_right_arithmetic3A_63 = arith.shrsi %iota3A_3, %shift_right_arithmetic3A_62 : vector<128x128xi32>
    %or3A_64 = arith.constant 1 : i32
    %or3A_65 = vector.broadcast %or3A_64 : i32 to vector<128x128xi32>
    %or3A_66 = arith.ori %shift_right_arithmetic3A_63, %or3A_65 : vector<128x128xi32>
    %shift_left3A_67 = arith.constant 3 : i32
    %shift_left3A_68 = vector.broadcast %shift_left3A_67 : i32 to vector<128x128xi32>
    %shift_left3A_69 = arith.shli %or3A_66, %shift_left3A_68 : vector<128x128xi32>
    %eq3A_70 = arith.cmpi eq, %iota3A_2, %shift_left3A_69 : vector<128x128xi32>
    %convert_element_type3A_71 = arith.extui %eq3A_70 : vector<128x128xi1> to vector<128x128xi32>
    %convert_element_type3A_72 = arith.sitofp %convert_element_type3A_71 : vector<128x128xi32> to vector<128x128xf32>
    %dot_general3A_73 = arith.constant dense<0.000000e+00> : vector<512x128xf32>
    %dot_general3A_74 = tpu.matmul %get3A_1, %convert_element_type3A_72, %dot_general3A_73 {dimension_numbers = #tpu.dot_dimension_numbers<[1], [0], [0], [1], [0, 0, 1, 1], [], []>, precision = #tpu.contract_precision<fp32>, transpose_lhs_hint = false} : vector<512x128xf32>, vector<128x128xf32>, vector<512x128xf32> -> vector<512x128xf32>
    %and3A_75 = arith.constant 8 : i32
    %and3A_76 = vector.broadcast %and3A_75 : i32 to vector<512x128xi32>
    %and3A_77 = arith.andi %iota3A, %and3A_76 : vector<512x128xi32>
    %eq3A_78 = arith.constant 0 : i32
    %eq3A_79 = vector.broadcast %eq3A_78 : i32 to vector<512x128xi32>
    %eq3A_80 = arith.cmpi eq, %and3A_77, %eq3A_79 : vector<512x128xi32>
    %min3A_81 = arith.minimumf %select_n3A_60, %dot_general3A_74 : vector<512x128xf32>
    %select_n3A_82 = arith.select %eq3A_80, %min3A_81, %select_n3A_60 : vector<512x128xi1>, vector<512x128xf32>
    %shift_right_arithmetic3A_83 = arith.constant 4 : i32
    %shift_right_arithmetic3A_84 = vector.broadcast %shift_right_arithmetic3A_83 : i32 to vector<128x128xi32>
    %shift_right_arithmetic3A_85 = arith.shrsi %iota3A_3, %shift_right_arithmetic3A_84 : vector<128x128xi32>
    %or3A_86 = arith.constant 1 : i32
    %or3A_87 = vector.broadcast %or3A_86 : i32 to vector<128x128xi32>
    %or3A_88 = arith.ori %shift_right_arithmetic3A_85, %or3A_87 : vector<128x128xi32>
    %shift_left3A_89 = arith.constant 4 : i32
    %shift_left3A_90 = vector.broadcast %shift_left3A_89 : i32 to vector<128x128xi32>
    %shift_left3A_91 = arith.shli %or3A_88, %shift_left3A_90 : vector<128x128xi32>
    %eq3A_92 = arith.cmpi eq, %iota3A_2, %shift_left3A_91 : vector<128x128xi32>
    %convert_element_type3A_93 = arith.extui %eq3A_92 : vector<128x128xi1> to vector<128x128xi32>
    %convert_element_type3A_94 = arith.sitofp %convert_element_type3A_93 : vector<128x128xi32> to vector<128x128xf32>
    %dot_general3A_95 = arith.constant dense<0.000000e+00> : vector<512x128xf32>
    %dot_general3A_96 = tpu.matmul %get3A_1, %convert_element_type3A_94, %dot_general3A_95 {dimension_numbers = #tpu.dot_dimension_numbers<[1], [0], [0], [1], [0, 0, 1, 1], [], []>, precision = #tpu.contract_precision<fp32>, transpose_lhs_hint = false} : vector<512x128xf32>, vector<128x128xf32>, vector<512x128xf32> -> vector<512x128xf32>
    %and3A_97 = arith.constant 16 : i32
    %and3A_98 = vector.broadcast %and3A_97 : i32 to vector<512x128xi32>
    %and3A_99 = arith.andi %iota3A, %and3A_98 : vector<512x128xi32>
    %eq3A_100 = arith.constant 0 : i32
    %eq3A_101 = vector.broadcast %eq3A_100 : i32 to vector<512x128xi32>
    %eq3A_102 = arith.cmpi eq, %and3A_99, %eq3A_101 : vector<512x128xi32>
    %min3A_103 = arith.minimumf %select_n3A_82, %dot_general3A_96 : vector<512x128xf32>
    %select_n3A_104 = arith.select %eq3A_102, %min3A_103, %select_n3A_82 : vector<512x128xi1>, vector<512x128xf32>
    %shift_right_arithmetic3A_105 = arith.constant 5 : i32
    %shift_right_arithmetic3A_106 = vector.broadcast %shift_right_arithmetic3A_105 : i32 to vector<128x128xi32>
    %shift_right_arithmetic3A_107 = arith.shrsi %iota3A_3, %shift_right_arithmetic3A_106 : vector<128x128xi32>
    %or3A_108 = arith.constant 1 : i32
    %or3A_109 = vector.broadcast %or3A_108 : i32 to vector<128x128xi32>
    %or3A_110 = arith.ori %shift_right_arithmetic3A_107, %or3A_109 : vector<128x128xi32>
    %shift_left3A_111 = arith.constant 5 : i32
    %shift_left3A_112 = vector.broadcast %shift_left3A_111 : i32 to vector<128x128xi32>
    %shift_left3A_113 = arith.shli %or3A_110, %shift_left3A_112 : vector<128x128xi32>
    %eq3A_114 = arith.cmpi eq, %iota3A_2, %shift_left3A_113 : vector<128x128xi32>
    %convert_element_type3A_115 = arith.extui %eq3A_114 : vector<128x128xi1> to vector<128x128xi32>
    %convert_element_type3A_116 = arith.sitofp %convert_element_type3A_115 : vector<128x128xi32> to vector<128x128xf32>
    %dot_general3A_117 = arith.constant dense<0.000000e+00> : vector<512x128xf32>
    %dot_general3A_118 = tpu.matmul %get3A_1, %convert_element_type3A_116, %dot_general3A_117 {dimension_numbers = #tpu.dot_dimension_numbers<[1], [0], [0], [1], [0, 0, 1, 1], [], []>, precision = #tpu.contract_precision<fp32>, transpose_lhs_hint = false} : vector<512x128xf32>, vector<128x128xf32>, vector<512x128xf32> -> vector<512x128xf32>
    %and3A_119 = arith.constant 32 : i32
    %and3A_120 = vector.broadcast %and3A_119 : i32 to vector<512x128xi32>
    %and3A_121 = arith.andi %iota3A, %and3A_120 : vector<512x128xi32>
    %eq3A_122 = arith.constant 0 : i32
    %eq3A_123 = vector.broadcast %eq3A_122 : i32 to vector<512x128xi32>
    %eq3A_124 = arith.cmpi eq, %and3A_121, %eq3A_123 : vector<512x128xi32>
    %min3A_125 = arith.minimumf %select_n3A_104, %dot_general3A_118 : vector<512x128xf32>
    %select_n3A_126 = arith.select %eq3A_124, %min3A_125, %select_n3A_104 : vector<512x128xi1>, vector<512x128xf32>
    %shift_right_arithmetic3A_127 = arith.constant 6 : i32
    %shift_right_arithmetic3A_128 = vector.broadcast %shift_right_arithmetic3A_127 : i32 to vector<128x128xi32>
    %shift_right_arithmetic3A_129 = arith.shrsi %iota3A_3, %shift_right_arithmetic3A_128 : vector<128x128xi32>
    %or3A_130 = arith.constant 1 : i32
    %or3A_131 = vector.broadcast %or3A_130 : i32 to vector<128x128xi32>
    %or3A_132 = arith.ori %shift_right_arithmetic3A_129, %or3A_131 : vector<128x128xi32>
    %shift_left3A_133 = arith.constant 6 : i32
    %shift_left3A_134 = vector.broadcast %shift_left3A_133 : i32 to vector<128x128xi32>
    %shift_left3A_135 = arith.shli %or3A_132, %shift_left3A_134 : vector<128x128xi32>
    %eq3A_136 = arith.cmpi eq, %iota3A_2, %shift_left3A_135 : vector<128x128xi32>
    %convert_element_type3A_137 = arith.extui %eq3A_136 : vector<128x128xi1> to vector<128x128xi32>
    %convert_element_type3A_138 = arith.sitofp %convert_element_type3A_137 : vector<128x128xi32> to vector<128x128xf32>
    %dot_general3A_139 = arith.constant dense<0.000000e+00> : vector<512x128xf32>
    %dot_general3A_140 = tpu.matmul %get3A_1, %convert_element_type3A_138, %dot_general3A_139 {dimension_numbers = #tpu.dot_dimension_numbers<[1], [0], [0], [1], [0, 0, 1, 1], [], []>, precision = #tpu.contract_precision<fp32>, transpose_lhs_hint = false} : vector<512x128xf32>, vector<128x128xf32>, vector<512x128xf32> -> vector<512x128xf32>
    %and3A_141 = arith.constant 64 : i32
    %and3A_142 = vector.broadcast %and3A_141 : i32 to vector<512x128xi32>
    %and3A_143 = arith.andi %iota3A, %and3A_142 : vector<512x128xi32>
    %eq3A_144 = arith.constant 0 : i32
    %eq3A_145 = vector.broadcast %eq3A_144 : i32 to vector<512x128xi32>
    %eq3A_146 = arith.cmpi eq, %and3A_143, %eq3A_145 : vector<512x128xi32>
    %min3A_147 = arith.minimumf %select_n3A_126, %dot_general3A_140 : vector<512x128xf32>
    %select_n3A_148 = arith.select %eq3A_146, %min3A_147, %select_n3A_126 : vector<512x128xi1>, vector<512x128xf32>
    %get3A_149 = arith.constant 0 : index
    %get3A_150 = arith.constant 0 : index
    %get3A_151 = vector.load %arg2[%get3A_149, %get3A_150] : memref<512x1xf32, #tpu.memory_space<vmem>>, vector<512x1xf32>
    %min3A_152 = vector.broadcast %get3A_151 : vector<512x1xf32> to vector<512x128xf32>
    %min3A_153 = arith.minimumf %select_n3A_148, %min3A_152 : vector<512x128xf32>
    %get3A_154 = arith.constant 0 : index
    %get3A_155 = arith.constant 0 : index
    %get3A_156 = vector.load %arg3[%get3A_154, %get3A_155] : memref<1x1xf32, #tpu.memory_space<vmem>>, vector<1x1xf32>
    %get3A_157 = vector.extract %get3A_156[0, 0] : f32 from vector<1x1xf32>
    %sub3A = vector.broadcast %get3A_157 : f32 to vector<512x128xf32>
    %sub3A_158 = arith.subf %min3A_153, %sub3A : vector<512x128xf32>
    %mul3A = arith.constant 0x49800000 : f32
    %mul3A_159 = vector.broadcast %mul3A : f32 to vector<512x128xf32>
    %mul3A_160 = arith.mulf %sub3A_158, %mul3A_159 : vector<512x128xf32>
    %jit3A = arith.constant -2.000000e+00 : f32
    %jit3A_161 = arith.constant 0x49800040 : f32
    %max3A = vector.broadcast %jit3A : f32 to vector<512x128xf32>
    %max3A_162 = arith.maximumf %max3A, %mul3A_160 : vector<512x128xf32>
    %min3A_163 = vector.broadcast %jit3A_161 : f32 to vector<512x128xf32>
    %min3A_164 = arith.minimumf %min3A_163, %max3A_162 : vector<512x128xf32>
    %floor3A = math.floor %min3A_164 : vector<512x128xf32>
    %convert_element_type3A_165 = arith.fptosi %floor3A : vector<512x128xf32> to vector<512x128xi32>
    %add3A = arith.constant 1 : i32
    %add3A_166 = vector.broadcast %add3A : i32 to vector<512x128xi32>
    %add3A_167 = arith.addi %convert_element_type3A_165, %add3A_166 : vector<512x128xi32>
    %sub3A_168 = arith.constant 4 : i32
    %sub3A_169 = vector.broadcast %sub3A_168 : i32 to vector<512x128xi32>
    %sub3A_170 = arith.subi %add3A_167, %sub3A_169 : vector<512x128xi32>
    %jit3A_171 = arith.constant 0 : i32
    %jit3A_172 = arith.constant 1048576 : i32
    %max3A_173 = vector.broadcast %jit3A_171 : i32 to vector<512x128xi32>
    %max3A_174 = arith.maxsi %max3A_173, %sub3A_170 : vector<512x128xi32>
    %min3A_175 = vector.broadcast %jit3A_172 : i32 to vector<512x128xi32>
    %min3A_176 = arith.minsi %min3A_175, %max3A_174 : vector<512x128xi32>
    %add3A_177 = arith.constant 0 : i32
    %add3A_178 = vector.broadcast %add3A_177 : i32 to vector<512x128xi32>
    %add3A_179 = arith.addi %min3A_176, %add3A_178 : vector<512x128xi32>
    %convert_element_type3A_180 = arith.sitofp %add3A_179 : vector<512x128xi32> to vector<512x128xf32>
    %mul3A_181 = arith.constant 9.53674316E-7 : f32
    %mul3A_182 = vector.broadcast %mul3A_181 : f32 to vector<512x128xf32>
    %mul3A_183 = arith.mulf %convert_element_type3A_180, %mul3A_182 : vector<512x128xf32>
    %add3A_184 = vector.broadcast %get3A_157 : f32 to vector<512x128xf32>
    %add3A_185 = arith.addf %add3A_184, %mul3A_183 : vector<512x128xf32>
    %le3A = arith.cmpf ole, %add3A_185, %min3A_153 : vector<512x128xf32>
    %lt3A = arith.constant 1048576 : i32
    %lt3A_186 = vector.broadcast %lt3A : i32 to vector<512x128xi32>
    %lt3A_187 = arith.cmpi slt, %add3A_179, %lt3A_186 : vector<512x128xi32>
    %and3A_188 = arith.andi %le3A, %lt3A_187 : vector<512x128xi1>
    %convert_element_type3A_189 = arith.extui %and3A_188 : vector<512x128xi1> to vector<512x128xi32>
    %add3A_190 = arith.addi %min3A_176, %convert_element_type3A_189 : vector<512x128xi32>
    %add3A_191 = arith.constant 1 : i32
    %add3A_192 = vector.broadcast %add3A_191 : i32 to vector<512x128xi32>
    %add3A_193 = arith.addi %min3A_176, %add3A_192 : vector<512x128xi32>
    %convert_element_type3A_194 = arith.sitofp %add3A_193 : vector<512x128xi32> to vector<512x128xf32>
    %mul3A_195 = arith.constant 9.53674316E-7 : f32
    %mul3A_196 = vector.broadcast %mul3A_195 : f32 to vector<512x128xf32>
    %mul3A_197 = arith.mulf %convert_element_type3A_194, %mul3A_196 : vector<512x128xf32>
    %add3A_198 = vector.broadcast %get3A_157 : f32 to vector<512x128xf32>
    %add3A_199 = arith.addf %add3A_198, %mul3A_197 : vector<512x128xf32>
    %le3A_200 = arith.cmpf ole, %add3A_199, %min3A_153 : vector<512x128xf32>
    %lt3A_201 = arith.constant 1048576 : i32
    %lt3A_202 = vector.broadcast %lt3A_201 : i32 to vector<512x128xi32>
    %lt3A_203 = arith.cmpi slt, %add3A_193, %lt3A_202 : vector<512x128xi32>
    %and3A_204 = arith.andi %le3A_200, %lt3A_203 : vector<512x128xi1>
    %convert_element_type3A_205 = arith.extui %and3A_204 : vector<512x128xi1> to vector<512x128xi32>
    %add3A_206 = arith.addi %add3A_190, %convert_element_type3A_205 : vector<512x128xi32>
    %add3A_207 = arith.constant 2 : i32
    %add3A_208 = vector.broadcast %add3A_207 : i32 to vector<512x128xi32>
    %add3A_209 = arith.addi %min3A_176, %add3A_208 : vector<512x128xi32>
    %convert_element_type3A_210 = arith.sitofp %add3A_209 : vector<512x128xi32> to vector<512x128xf32>
    %mul3A_211 = arith.constant 9.53674316E-7 : f32
    %mul3A_212 = vector.broadcast %mul3A_211 : f32 to vector<512x128xf32>
    %mul3A_213 = arith.mulf %convert_element_type3A_210, %mul3A_212 : vector<512x128xf32>
    %add3A_214 = vector.broadcast %get3A_157 : f32 to vector<512x128xf32>
    %add3A_215 = arith.addf %add3A_214, %mul3A_213 : vector<512x128xf32>
    %le3A_216 = arith.cmpf ole, %add3A_215, %min3A_153 : vector<512x128xf32>
    %lt3A_217 = arith.constant 1048576 : i32
    %lt3A_218 = vector.broadcast %lt3A_217 : i32 to vector<512x128xi32>
    %lt3A_219 = arith.cmpi slt, %add3A_209, %lt3A_218 : vector<512x128xi32>
    %and3A_220 = arith.andi %le3A_216, %lt3A_219 : vector<512x128xi1>
    %convert_element_type3A_221 = arith.extui %and3A_220 : vector<512x128xi1> to vector<512x128xi32>
    %add3A_222 = arith.addi %add3A_206, %convert_element_type3A_221 : vector<512x128xi32>
    %add3A_223 = arith.constant 3 : i32
    %add3A_224 = vector.broadcast %add3A_223 : i32 to vector<512x128xi32>
    %add3A_225 = arith.addi %min3A_176, %add3A_224 : vector<512x128xi32>
    %convert_element_type3A_226 = arith.sitofp %add3A_225 : vector<512x128xi32> to vector<512x128xf32>
    %mul3A_227 = arith.constant 9.53674316E-7 : f32
    %mul3A_228 = vector.broadcast %mul3A_227 : f32 to vector<512x128xf32>
    %mul3A_229 = arith.mulf %convert_element_type3A_226, %mul3A_228 : vector<512x128xf32>
    %add3A_230 = vector.broadcast %get3A_157 : f32 to vector<512x128xf32>
    %add3A_231 = arith.addf %add3A_230, %mul3A_229 : vector<512x128xf32>
    %le3A_232 = arith.cmpf ole, %add3A_231, %min3A_153 : vector<512x128xf32>
    %lt3A_233 = arith.constant 1048576 : i32
    %lt3A_234 = vector.broadcast %lt3A_233 : i32 to vector<512x128xi32>
    %lt3A_235 = arith.cmpi slt, %add3A_225, %lt3A_234 : vector<512x128xi32>
    %and3A_236 = arith.andi %le3A_232, %lt3A_235 : vector<512x128xi1>
    %convert_element_type3A_237 = arith.extui %and3A_236 : vector<512x128xi1> to vector<512x128xi32>
    %add3A_238 = arith.addi %add3A_222, %convert_element_type3A_237 : vector<512x128xi32>
    %add3A_239 = arith.constant 4 : i32
    %add3A_240 = vector.broadcast %add3A_239 : i32 to vector<512x128xi32>
    %add3A_241 = arith.addi %min3A_176, %add3A_240 : vector<512x128xi32>
    %convert_element_type3A_242 = arith.sitofp %add3A_241 : vector<512x128xi32> to vector<512x128xf32>
    %mul3A_243 = arith.constant 9.53674316E-7 : f32
    %mul3A_244 = vector.broadcast %mul3A_243 : f32 to vector<512x128xf32>
    %mul3A_245 = arith.mulf %convert_element_type3A_242, %mul3A_244 : vector<512x128xf32>
    %add3A_246 = vector.broadcast %get3A_157 : f32 to vector<512x128xf32>
    %add3A_247 = arith.addf %add3A_246, %mul3A_245 : vector<512x128xf32>
    %le3A_248 = arith.cmpf ole, %add3A_247, %min3A_153 : vector<512x128xf32>
    %lt3A_249 = arith.constant 1048576 : i32
    %lt3A_250 = vector.broadcast %lt3A_249 : i32 to vector<512x128xi32>
    %lt3A_251 = arith.cmpi slt, %add3A_241, %lt3A_250 : vector<512x128xi32>
    %and3A_252 = arith.andi %le3A_248, %lt3A_251 : vector<512x128xi1>
    %convert_element_type3A_253 = arith.extui %and3A_252 : vector<512x128xi1> to vector<512x128xi32>
    %add3A_254 = arith.addi %add3A_238, %convert_element_type3A_253 : vector<512x128xi32>
    %add3A_255 = arith.constant 5 : i32
    %add3A_256 = vector.broadcast %add3A_255 : i32 to vector<512x128xi32>
    %add3A_257 = arith.addi %min3A_176, %add3A_256 : vector<512x128xi32>
    %convert_element_type3A_258 = arith.sitofp %add3A_257 : vector<512x128xi32> to vector<512x128xf32>
    %mul3A_259 = arith.constant 9.53674316E-7 : f32
    %mul3A_260 = vector.broadcast %mul3A_259 : f32 to vector<512x128xf32>
    %mul3A_261 = arith.mulf %convert_element_type3A_258, %mul3A_260 : vector<512x128xf32>
    %add3A_262 = vector.broadcast %get3A_157 : f32 to vector<512x128xf32>
    %add3A_263 = arith.addf %add3A_262, %mul3A_261 : vector<512x128xf32>
    %le3A_264 = arith.cmpf ole, %add3A_263, %min3A_153 : vector<512x128xf32>
    %lt3A_265 = arith.constant 1048576 : i32
    %lt3A_266 = vector.broadcast %lt3A_265 : i32 to vector<512x128xi32>
    %lt3A_267 = arith.cmpi slt, %add3A_257, %lt3A_266 : vector<512x128xi32>
    %and3A_268 = arith.andi %le3A_264, %lt3A_267 : vector<512x128xi1>
    %convert_element_type3A_269 = arith.extui %and3A_268 : vector<512x128xi1> to vector<512x128xi32>
    %add3A_270 = arith.addi %add3A_254, %convert_element_type3A_269 : vector<512x128xi32>
    %add3A_271 = arith.constant 6 : i32
    %add3A_272 = vector.broadcast %add3A_271 : i32 to vector<512x128xi32>
    %add3A_273 = arith.addi %min3A_176, %add3A_272 : vector<512x128xi32>
    %convert_element_type3A_274 = arith.sitofp %add3A_273 : vector<512x128xi32> to vector<512x128xf32>
    %mul3A_275 = arith.constant 9.53674316E-7 : f32
    %mul3A_276 = vector.broadcast %mul3A_275 : f32 to vector<512x128xf32>
    %mul3A_277 = arith.mulf %convert_element_type3A_274, %mul3A_276 : vector<512x128xf32>
    %add3A_278 = vector.broadcast %get3A_157 : f32 to vector<512x128xf32>
    %add3A_279 = arith.addf %add3A_278, %mul3A_277 : vector<512x128xf32>
    %le3A_280 = arith.cmpf ole, %add3A_279, %min3A_153 : vector<512x128xf32>
    %lt3A_281 = arith.constant 1048576 : i32
    %lt3A_282 = vector.broadcast %lt3A_281 : i32 to vector<512x128xi32>
    %lt3A_283 = arith.cmpi slt, %add3A_273, %lt3A_282 : vector<512x128xi32>
    %and3A_284 = arith.andi %le3A_280, %lt3A_283 : vector<512x128xi1>
    %convert_element_type3A_285 = arith.extui %and3A_284 : vector<512x128xi1> to vector<512x128xi32>
    %add3A_286 = arith.addi %add3A_270, %convert_element_type3A_285 : vector<512x128xi32>
    %add3A_287 = arith.constant 7 : i32
    %add3A_288 = vector.broadcast %add3A_287 : i32 to vector<512x128xi32>
    %add3A_289 = arith.addi %min3A_176, %add3A_288 : vector<512x128xi32>
    %convert_element_type3A_290 = arith.sitofp %add3A_289 : vector<512x128xi32> to vector<512x128xf32>
    %mul3A_291 = arith.constant 9.53674316E-7 : f32
    %mul3A_292 = vector.broadcast %mul3A_291 : f32 to vector<512x128xf32>
    %mul3A_293 = arith.mulf %convert_element_type3A_290, %mul3A_292 : vector<512x128xf32>
    %add3A_294 = vector.broadcast %get3A_157 : f32 to vector<512x128xf32>
    %add3A_295 = arith.addf %add3A_294, %mul3A_293 : vector<512x128xf32>
    %le3A_296 = arith.cmpf ole, %add3A_295, %min3A_153 : vector<512x128xf32>
    %lt3A_297 = arith.constant 1048576 : i32
    %lt3A_298 = vector.broadcast %lt3A_297 : i32 to vector<512x128xi32>
    %lt3A_299 = arith.cmpi slt, %add3A_289, %lt3A_298 : vector<512x128xi32>
    %and3A_300 = arith.andi %le3A_296, %lt3A_299 : vector<512x128xi1>
    %convert_element_type3A_301 = arith.extui %and3A_300 : vector<512x128xi1> to vector<512x128xi32>
    %add3A_302 = arith.addi %add3A_286, %convert_element_type3A_301 : vector<512x128xi32>
    %swap3A = arith.constant 0 : index
    %swap3A_303 = arith.constant 0 : index
    %swap3A_304 = vector.load %arg4[%swap3A, %swap3A_303] : memref<512x128xi32, #tpu.memory_space<vmem>>, vector<512x128xi32>
    tpu.vector_store %arg4[%swap3A, %swap3A_303], %add3A_302 {strides = array<i32>} : memref<512x128xi32, #tpu.memory_space<vmem>>, vector<512x128xi32>,
    return
  }
  func.func @transform_0(%arg0: i32) -> (i32, i32) {
    %c0_i32 = arith.constant 0 : i32
    %c0_i32_0 = arith.constant 0 : i32
    return %arg0, %c0_i32 : i32, i32
  }
  func.func @transform_1(%arg0: i32) -> (i32, i32) {
    %c0_i32 = arith.constant 0 : i32
    %c0_i32_0 = arith.constant 0 : i32
    return %arg0, %c0_i32 : i32, i32
  }
  func.func @transform_2(%arg0: i32) -> (i32, i32) {
    %c0_i32 = arith.constant 0 : i32
    %c0_i32_0 = arith.constant 0 : i32
    %c0_i32_1 = arith.constant 0 : i32
    return %c0_i32, %c0_i32_0 : i32, i32
  }
  func.func @transform_3(%arg0: i32) -> (i32, i32) {
    %c0_i32 = arith.constant 0 : i32
    %c0_i32_0 = arith.constant 0 : i32
    return %arg0, %c0_i32 : i32, i32
  }
}

module attributes {stable_mosaic.version = 14 : i64} {
  func.func @_scan_kernel(%arg0: i32, %arg1: memref<1x128x1024xi32, #tpu.memory_space<vmem>>, %arg2: memref<1x128x1024xi32, #tpu.memory_space<vmem>>, %arg3: memref<128x1024xi32, #tpu.memory_space<vmem>>, %arg4: memref<1xf32, #tpu.memory_space<smem>>) attributes {dimension_semantics = [#tpu.dimension_semantics<arbitrary>], iteration_bounds = array<i64: 8>, scalar_prefetch = 0 : i64, scratch_operands = 1 : i64, tpu.core_type = #tpu.core_type<tc>, window_params = [{transform_indices = @transform_0, window_bounds = array<i64: 1, 128, 1024>}, {transform_indices = @transform_1, window_bounds = array<i64: 1, 128, 1024>}, {transform_indices = @transform_2, window_bounds = array<i64: 128, 1024>}]} {
    %get3A = arith.constant 0 : index
    %get3A_0 = arith.constant 0 : index
    %get3A_1 = arith.constant 0 : index
    %get3A_2 = vector.load %arg1[%get3A, %get3A_0, %get3A_1] : memref<1x128x1024xi32, #tpu.memory_space<vmem>>, vector<1x128x1024xi32>
    %get3A_3 = vector.shape_cast %get3A_2 : vector<1x128x1024xi32> to vector<128x1024xi32>
    %get3A_4 = arith.constant 0 : index
    %get3A_5 = arith.constant 0 : index
    %get3A_6 = arith.constant 0 : index
    %get3A_7 = vector.load %arg2[%get3A_4, %get3A_5, %get3A_6] : memref<1x128x1024xi32, #tpu.memory_space<vmem>>, vector<1x128x1024xi32>
    %get3A_8 = vector.shape_cast %get3A_7 : vector<1x128x1024xi32> to vector<128x1024xi32>
    %add3A = arith.addi %get3A_3, %get3A_8 : vector<128x1024xi32>
    %convert_element_type3A = arith.sitofp %add3A : vector<128x1024xi32> to vector<128x1024xf32>
    %iota3A = tpu.iota {dimensions = array<i32: 0>} : vector<1024x1024xi32>
    %iota3A_9 = tpu.iota {dimensions = array<i32: 1>} : vector<1024x1024xi32>
    %le3A = arith.cmpi sle, %iota3A, %iota3A_9 : vector<1024x1024xi32>
    %convert_element_type3A_10 = arith.extui %le3A : vector<1024x1024xi1> to vector<1024x1024xi32>
    %convert_element_type3A_11 = arith.sitofp %convert_element_type3A_10 : vector<1024x1024xi32> to vector<1024x1024xf32>
    %dot_general3A = arith.constant dense<0.000000e+00> : vector<128x1024xf32>
    %dot_general3A_12 = tpu.matmul %convert_element_type3A, %convert_element_type3A_11, %dot_general3A {dimension_numbers = #tpu.dot_dimension_numbers<[1], [0], [0], [1], [0, 0, 1, 1], [], []>, precision = #tpu.contract_precision<fp32>, transpose_lhs_hint = false} : vector<128x1024xf32>, vector<1024x1024xf32>, vector<128x1024xf32> -> vector<128x1024xf32>
    %slice3A = vector.extract_strided_slice %dot_general3A_12 {offsets = [0, 1023], sizes = [128, 1], strides = [1, 1]} : vector<128x1024xf32> to vector<128x1xf32>
    %iota3A_13 = tpu.iota {dimensions = array<i32: 0>} : vector<128x128xi32>
    %iota3A_14 = tpu.iota {dimensions = array<i32: 1>} : vector<128x128xi32>
    %lt3A = arith.cmpi slt, %iota3A_14, %iota3A_13 : vector<128x128xi32>
    %convert_element_type3A_15 = arith.extui %lt3A : vector<128x128xi1> to vector<128x128xi32>
    %convert_element_type3A_16 = arith.sitofp %convert_element_type3A_15 : vector<128x128xi32> to vector<128x128xf32>
    %dot_general3A_17 = arith.constant dense<0.000000e+00> : vector<128x1xf32>
    %dot_general3A_18 = tpu.matmul %convert_element_type3A_16, %slice3A, %dot_general3A_17 {dimension_numbers = #tpu.dot_dimension_numbers<[1], [0], [0], [1], [0, 0, 1, 1], [], []>, precision = #tpu.contract_precision<fp32>, transpose_lhs_hint = false} : vector<128x128xf32>, vector<128x1xf32>, vector<128x1xf32> -> vector<128x1xf32>
    %eq3A = arith.constant 0 : i32
    %eq3A_19 = arith.cmpi eq, %arg0, %eq3A : i32
    %convert_element_type3A_20 = arith.extui %eq3A_19 : i1 to i32
    %cond3A = arith.constant 0 : i32
    %cond3A_21 = arith.cmpi ne, %convert_element_type3A_20, %cond3A : i32
    scf.if %cond3A_21 {
      %swap3A_40 = arith.constant 0.000000e+00 : f32
      %swap3A_41 = arith.constant 0 : index
      %swap3A_42 = memref.load %arg4[%swap3A_41] : memref<1xf32, #tpu.memory_space<smem>>
      memref.store %swap3A_40, %arg4[%swap3A_41] : memref<1xf32, #tpu.memory_space<smem>>
    } else {
    }
    %get3A_22 = arith.constant 0 : index
    %get3A_23 = memref.load %arg4[%get3A_22] : memref<1xf32, #tpu.memory_space<smem>>
    %add3A_24 = vector.broadcast %dot_general3A_18 : vector<128x1xf32> to vector<128x1024xf32>
    %add3A_25 = arith.addf %dot_general3A_12, %add3A_24 : vector<128x1024xf32>
    %add3A_26 = vector.broadcast %get3A_23 : f32 to vector<128x1024xf32>
    %add3A_27 = arith.addf %add3A_25, %add3A_26 : vector<128x1024xf32>
    %min3A = arith.constant 0x497FFFF0 : f32
    %min3A_28 = vector.broadcast %min3A : f32 to vector<128x1024xf32>
    %min3A_29 = arith.minimumf %add3A_27, %min3A_28 : vector<128x1024xf32>
    %convert_element_type3A_30 = arith.fptosi %min3A_29 : vector<128x1024xf32> to vector<128x1024xi32>
    %swap3A = arith.constant 0 : index
    %swap3A_31 = arith.constant 0 : index
    %swap3A_32 = vector.load %arg3[%swap3A, %swap3A_31] : memref<128x1024xi32, #tpu.memory_space<vmem>>, vector<128x1024xi32>
    tpu.vector_store %arg3[%swap3A, %swap3A_31], %convert_element_type3A_30 {strides = array<i32>} : memref<128x1024xi32, #tpu.memory_space<vmem>>, vector<128x1024xi32>,
    %reduce_sum3A = vector.shape_cast %slice3A : vector<128x1xf32> to vector<1x128x1xf32>
    %reduce_sum3A_33 = arith.constant dense<0.000000e+00> : vector<1xf32>
    %reduce_sum3A_34 = vector.multi_reduction <add>, %reduce_sum3A, %reduce_sum3A_33 [1, 2] : vector<1x128x1xf32> to vector<1xf32>
    %reduce_sum3A_35 = vector.shape_cast %reduce_sum3A_34 : vector<1xf32> to vector<1x1x1xf32>
    %reduce_sum3A_36 = vector.extract %reduce_sum3A_35[0, 0, 0] : f32 from vector<1x1x1xf32>
    %add3A_37 = arith.addf %get3A_23, %reduce_sum3A_36 : f32
    %swap3A_38 = arith.constant 0 : index
    %swap3A_39 = memref.load %arg4[%swap3A_38] : memref<1xf32, #tpu.memory_space<smem>>
    memref.store %add3A_37, %arg4[%swap3A_38] : memref<1xf32, #tpu.memory_space<smem>>
    return
  }
  func.func @transform_0(%arg0: i32) -> (i32, i32, i32) {
    %c0_i32 = arith.constant 0 : i32
    %c0_i32_0 = arith.constant 0 : i32
    %c0_i32_1 = arith.constant 0 : i32
    return %c0_i32, %arg0, %c0_i32_0 : i32, i32, i32
  }
  func.func @transform_1(%arg0: i32) -> (i32, i32, i32) {
    %c1_i32 = arith.constant 1 : i32
    %c0_i32 = arith.constant 0 : i32
    %c0_i32_0 = arith.constant 0 : i32
    return %c1_i32, %arg0, %c0_i32 : i32, i32, i32
  }
  func.func @transform_2(%arg0: i32) -> (i32, i32) {
    %c0_i32 = arith.constant 0 : i32
    %c0_i32_0 = arith.constant 0 : i32
    return %arg0, %c0_i32 : i32, i32
  }
}

module attributes {stable_mosaic.version = 14 : i64} {
  func.func @_mu_kernel(%arg0: i32, %arg1: memref<1024x128xf32, #tpu.memory_space<vmem>>, %arg2: memref<1x1x128xf32, #tpu.memory_space<vmem>>) attributes {dimension_semantics = [#tpu.dimension_semantics<arbitrary>], iteration_bounds = array<i64: 24>, scalar_prefetch = 0 : i64, scratch_operands = 0 : i64, tpu.core_type = #tpu.core_type<tc>, window_params = [{transform_indices = @transform_0, window_bounds = array<i64: 1024, 128>}, {transform_indices = @transform_1, window_bounds = array<i64: 1, 1, 128>}]} {
    %get3A = arith.constant 0 : index
    %get3A_0 = arith.constant 0 : index
    %get3A_1 = vector.load %arg1[%get3A, %get3A_0] : memref<1024x128xf32, #tpu.memory_space<vmem>>, vector<1024x128xf32>
    %reduce_sum3A = vector.shape_cast %get3A_1 : vector<1024x128xf32> to vector<1x1024x128xf32>
    %reduce_sum3A_2 = arith.constant dense<0.000000e+00> : vector<1xf32>
    %reduce_sum3A_3 = vector.multi_reduction <add>, %reduce_sum3A, %reduce_sum3A_2 [1, 2] : vector<1x1024x128xf32> to vector<1xf32>
    %reduce_sum3A_4 = vector.shape_cast %reduce_sum3A_3 : vector<1xf32> to vector<1x1x1xf32>
    %reduce_sum3A_5 = vector.extract %reduce_sum3A_4[0, 0, 0] : f32 from vector<1x1x1xf32>
    %sin3A = math.sin %get3A_1 : vector<1024x128xf32>
    %reduce_sum3A_6 = vector.shape_cast %sin3A : vector<1024x128xf32> to vector<1x1024x128xf32>
    %reduce_sum3A_7 = arith.constant dense<0.000000e+00> : vector<1xf32>
    %reduce_sum3A_8 = vector.multi_reduction <add>, %reduce_sum3A_6, %reduce_sum3A_7 [1, 2] : vector<1x1024x128xf32> to vector<1xf32>
    %reduce_sum3A_9 = vector.shape_cast %reduce_sum3A_8 : vector<1xf32> to vector<1x1x1xf32>
    %reduce_sum3A_10 = vector.extract %reduce_sum3A_9[0, 0, 0] : f32 from vector<1x1x1xf32>
    %cos3A = math.cos %get3A_1 : vector<1024x128xf32>
    %reduce_sum3A_11 = vector.shape_cast %cos3A : vector<1024x128xf32> to vector<1x1024x128xf32>
    %reduce_sum3A_12 = arith.constant dense<0.000000e+00> : vector<1xf32>
    %reduce_sum3A_13 = vector.multi_reduction <add>, %reduce_sum3A_11, %reduce_sum3A_12 [1, 2] : vector<1x1024x128xf32> to vector<1xf32>
    %reduce_sum3A_14 = vector.shape_cast %reduce_sum3A_13 : vector<1xf32> to vector<1x1x1xf32>
    %reduce_sum3A_15 = vector.extract %reduce_sum3A_14[0, 0, 0] : f32 from vector<1x1x1xf32>
    %iota3A = tpu.iota {dimensions = array<i32: 1>} : vector<1x128xi32>
    %eq3A = arith.constant 0 : i32
    %eq3A_16 = vector.broadcast %eq3A : i32 to vector<1x128xi32>
    %eq3A_17 = arith.cmpi eq, %iota3A, %eq3A_16 : vector<1x128xi32>
    %eq3A_18 = arith.constant 1 : i32
    %eq3A_19 = vector.broadcast %eq3A_18 : i32 to vector<1x128xi32>
    %eq3A_20 = arith.cmpi eq, %iota3A, %eq3A_19 : vector<1x128xi32>
    %eq3A_21 = arith.constant 2 : i32
    %eq3A_22 = vector.broadcast %eq3A_21 : i32 to vector<1x128xi32>
    %eq3A_23 = arith.cmpi eq, %iota3A, %eq3A_22 : vector<1x128xi32>
    %jit3A = arith.constant 0.000000e+00 : f32
    %broadcast_in_dim3A = vector.broadcast %reduce_sum3A_15 : f32 to vector<1x128xf32>
    %broadcast_in_dim3A_24 = vector.broadcast %jit3A : f32 to vector<1x128xf32>
    %select_n3A = arith.select %eq3A_23, %broadcast_in_dim3A, %broadcast_in_dim3A_24 : vector<1x128xi1>, vector<1x128xf32>
    %broadcast_in_dim3A_25 = vector.broadcast %reduce_sum3A_10 : f32 to vector<1x128xf32>
    %select_n3A_26 = arith.select %eq3A_20, %broadcast_in_dim3A_25, %select_n3A : vector<1x128xi1>, vector<1x128xf32>
    %broadcast_in_dim3A_27 = vector.broadcast %reduce_sum3A_5 : f32 to vector<1x128xf32>
    %select_n3A_28 = arith.select %eq3A_17, %broadcast_in_dim3A_27, %select_n3A_26 : vector<1x128xi1>, vector<1x128xf32>
    %swap3A = arith.constant 0 : index
    %swap3A_29 = arith.constant 0 : index
    %swap3A_30 = arith.constant 0 : index
    %swap3A_31 = vector.load %arg2[%swap3A, %swap3A_29, %swap3A_30] : memref<1x1x128xf32, #tpu.memory_space<vmem>>, vector<1x1x128xf32>
    %swap3A_32 = vector.shape_cast %swap3A_31 : vector<1x1x128xf32> to vector<1x128xf32>
    %swap3A_33 = vector.shape_cast %select_n3A_28 : vector<1x128xf32> to vector<1x1x128xf32>
    tpu.vector_store %arg2[%swap3A, %swap3A_29, %swap3A_30], %swap3A_33 {strides = array<i32>} : memref<1x1x128xf32, #tpu.memory_space<vmem>>, vector<1x1x128xf32>,
    return
  }
  func.func @transform_0(%arg0: i32) -> (i32, i32) {
    %c0_i32 = arith.constant 0 : i32
    %c0_i32_0 = arith.constant 0 : i32
    return %arg0, %c0_i32 : i32, i32
  }
  func.func @transform_1(%arg0: i32) -> (i32, i32, i32) {
    %c0_i32 = arith.constant 0 : i32
    %c0_i32_0 = arith.constant 0 : i32
    %c0_i32_1 = arith.constant 0 : i32
    return %arg0, %c0_i32, %c0_i32_0 : i32, i32, i32
  }
}

</mosaic_0001>

<sc_bundles>
// kernel: kernel.12.cloned.1.call-start
scs
__scs_entry_jumppad:
0x0: {  	(pc) =	sbr.rel $0x88, $3  }
0x1: {  	(tag) =	ssettag $0x0;
	lr =	simm.s32 $0x1  }
0x2: {  	[smem:$0x3F9B] =	sst lr;
	_ =	strace $0xD0000000  }
0x3: {  	_ = 	snop  }
0x4: {  	_ = 	snop  }
0x5: {  	_ = 	snop  }
0x6: {  	_ = 	snop  }
0x7: {  	_ = 	snop  }
__scs_overlays_trampoline_lowered:
0x8: {  	[smem:$0x3FAA] =	sst s0  }
0x9: {  	[smem:$0x3FAB] =	sst s1  }
0xa: {  	[smem:$0x3FAC] =	sst s2  }
0xb: {  	[smem:$0x3FAD] =	sst s3  }
0xc: {  	[smem:$0x3FAE] =	sst s4  }
0xd: {  	[smem:$0x3FAF] =	sst s5  }
0xe: {  	[smem:$0x3FB0] =	sst s6  }
0xf: {  	[smem:$0x3FB1] =	sst s7  }
0x10: {  	[smem:$0x3FB2] =	sst s8  }
0x11: {  	[smem:$0x3FB3] =	sst s9;
	s0 =	simm.s32 @!p0 $0x0  }
0x12: {  	s1 =	sld [smem:$0x3F99];
	s0 =	simm.s32 @p0 $0x1  }
0x13: {  	[smem:$0x3FB4] =	sst s0;
	s0 =	simm.s32 @!p1 $0x0  }
0x14: {  	s2 =	sld [smem:$0x3F98];
	s0 =	simm.s32 @p1 $0x1  }
0x15: {  	[smem:$0x3FB5] =	sst s0;
	s0 =	simm.s32 @!p2 $0x0  }
0x16: {  	s3 =	sld [smem:$0x3FDB];
	s0 =	simm.s32 @p2 $0x1  }
0x17: {  	s4 =	simm.s32 $0x1BF5;
	[smem:$0x3FB7] =	sst s0  }
0x18: {  	s0 =	sld [smem:$0x3F9A];
	_ =	swait.ge [sflag:s4], $0x0  }
0x19: {  	s7 =	sld [smem:$0x3F9B]  }
0x1a: {  	s8 =	sadd.s32 $0xFFFFE003, lr  }
0x1b: {  	s9 =	sadd.s32 $0xFFFFFEF7, lr;
	s5 =	simm.s32 $0xFFFFFFFF;
	p2 =	slt.u32 s8, $0xFFFFF086  }
0x1c: {  	p1 =	slt.u32 s9, $0xF7A;
	s5 =	simm.s32 @!p2 $0x0  }
0x1d: {  	s5 =	simm.s32 @p1 $0x1;
	p0 =	seq.s32 s7, s2  }
0x1e: {  	s7 =	smul.u32 @!p0 $0xF7A, s2;
	p2 =	seq.s32 @!p0 s5, $0x0  }
0x1f: {  	s9 =	smul.u32 $0xF7A, s1;
	s8 =	simm.s32 @!p0 $0x1BF5;
	p2 =	por !p2, p0  }
0x20: {  	[sflag:s8] =	ssyncset.s32 @!p0 $0xFFFFF086;
	s6 =	sadd.s32 @!p0 s3, s7;
	s7 =	simm.s32 @!p0 $0x108  }
0x21: {  	s3 =	sadd.s32 s3, s9;
	s6 =	sadd.s32 @!p0 $0x88, s6;
	s7 =	simm.s32 @p2 $0x1082  }
0x22: {  	[simem:s7], [sflag:s8] =	dma.local @!p0 [hbm:s6], $0xF7A  }
0x23: {  	s9 =	sor.u32 $0xD0000000, s2;
	s6 =	simm.s32 $0x108;
	_ =	swait.ge @!p0 [sflag:s8], $0x0  }
0x24: {  	s3 =	sadd.s32 $0x88, s3;
	s6 =	simm.s32 @!p1 $0x1082;
	[sflag:s4] =	ssyncset.s32 $0xFFFFF086  }
0x25: {  	[simem:s6], [sflag:s4] =	dma.local [hbm:s3], $0xF7A  }
0x26: {  	[smem:$0x3F9B] =	sst s1;
	(tag) =	ssettag s2;
	_ =	strace s9  }
0x27: {  	s1 =	sld [smem:$0x3FAB]  }
0x28: {  	s2 =	sld [smem:$0x3FAC]  }
0x29: {  	s4 =	sld [smem:$0x3FAE]  }
0x2a: {  	p0 =	seq.s32 s5, $0x0;
	s5 =	sld [smem:$0x3FAF]  }
0x2b: {  	s6 =	sld [smem:$0x3FB0]  }
0x2c: {  	s7 =	sld [smem:$0x3FB1]  }
0x2d: {  	s3 =	simm.s32 $0x108;
	s8 =	sld [smem:$0x3FB2]  }
0x2e: {  	s3 =	simm.s32 @!p0 $0x1082;
	s9 =	sld [smem:$0x3FB3]  }
0x2f: {  	lr =	sadd.s32 s0, s3;
	s0 =	sld [smem:$0x3FAA]  }
0x30: {  	s3 =	sld [smem:$0x3FAD]  }
0x31: {  	[smem:$0x3FB6] =	sst s10  }
0x32: {  	s10 =	sld [smem:$0x3FB4];
	_ =	sdelay $0x3  }
0x33: {  	p0 =	seq.s32 s10, $0x1;
	s10 =	sld [smem:$0x3FB6];
	_ =	sdelay $0x3  }
0x34: {  	[smem:$0x3FB6] =	sst s10  }
0x35: {  	s10 =	sld [smem:$0x3FB5];
	_ =	sdelay $0x3  }
0x36: {  	p1 =	seq.s32 s10, $0x1;
	s10 =	sld [smem:$0x3FB6];
	_ =	sdelay $0x3  }
0x37: {  	[smem:$0x3FB6] =	sst s10  }
0x38: {  	s10 =	sld [smem:$0x3FB7]  }
0x39: {  	_ = 	snop;
	(pc) =	sbr.ind lr, $3  }
0x3a: {  	_ = 	snop  }
0x3b: {  	_ = 	snop  }
0x3c: {  	p2 =	seq.s32 s10, $0x1;
	s10 =	sld [smem:$0x3FB6]  }
0x3d: {  	_ =	shalt  }
0x3e: {  	_ =	shalt  }
0x3f: {  	_ =	shalt  }
0x40: {  	_ =	shalt  }
0x41: {  	_ =	shalt  }
0x42: {  	_ =	shalt  }
0x43: {  	_ =	shalt  }
0x44: {  	_ =	shalt  }
0x45: {  	_ =	shalt  }
0x46: {  	_ =	shalt  }
0x47: {  	_ =	shalt  }
0x48: {  	_ =	shalt  }
0x49: {  	_ =	shalt  }
0x4a: {  	_ =	shalt  }
0x4b: {  	_ =	shalt  }
0x4c: {  	_ =	shalt  }
0x4d: {  	_ =	shalt  }
0x4e: {  	_ =	shalt  }
0x4f: {  	_ =	shalt  }
0x50: {  	_ =	shalt  }
0x51: {  	_ =	shalt  }
0x52: {  	_ =	shalt  }
0x53: {  	_ =	shalt  }
0x54: {  	_ =	shalt  }
0x55: {  	_ =	shalt  }
0x56: {  	_ =	shalt  }
0x57: {  	_ =	shalt  }
0x58: {  	_ =	shalt  }
0x59: {  	_ =	shalt  }
0x5a: {  	_ =	shalt  }
0x5b: {  	_ =	shalt  }
0x5c: {  	_ =	shalt  }
0x5d: {  	_ =	shalt  }
0x5e: {  	_ =	shalt  }
0x5f: {  	_ =	shalt  }
0x60: {  	_ =	shalt  }
0x61: {  	_ =	shalt  }
0x62: {  	_ =	shalt  }
0x63: {  	_ =	shalt  }
0x64: {  	_ =	shalt  }
0x65: {  	_ =	shalt  }
0x66: {  	_ =	shalt  }
0x67: {  	_ =	shalt  }
0x68: {  	_ =	shalt  }
0x69: {  	_ =	shalt  }
0x6a: {  	_ =	shalt  }
0x6b: {  	_ =	shalt  }
0x6c: {  	_ =	shalt  }
0x6d: {  	_ =	shalt  }
0x6e: {  	_ =	shalt  }
0x6f: {  	_ =	shalt  }
0x70: {  	_ =	shalt  }
0x71: {  	_ =	shalt  }
0x72: {  	_ =	shalt  }
0x73: {  	_ =	shalt  }
0x74: {  	_ =	shalt  }
0x75: {  	_ =	shalt  }
0x76: {  	_ =	shalt  }
0x77: {  	_ =	shalt  }
0x78: {  	_ =	shalt  }
0x79: {  	_ =	shalt  }
0x7a: {  	_ =	shalt  }
0x7b: {  	_ =	shalt  }
0x7c: {  	_ =	shalt  }
0x7d: {  	_ =	shalt  }
0x7e: {  	_ =	shalt  }
0x7f: {  	_ =	shalt  }
0x80: {  	_ =	shalt  }
0x81: {  	_ =	shalt  }
0x82: {  	_ =	shalt  }
0x83: {  	_ =	shalt  }
0x84: {  	_ =	shalt  }
0x85: {  	_ =	shalt  }
0x86: {  	_ =	shalt  }
0x87: {  	_ =	shalt  }
.Lfunc_end0:
.L_simem_size_0:
called_computation.1_lowered:
.L_overlay_start_0:
0x88: {  	s2 =	sld [smem:$0x3FD9]  }
0x89: {  	s3 =	sld [smem:$0x3FFE];
	_ =	sdelay $0x1  }
0x8a: {  	s1 =	srdreg.scid  }
0x8b: {  	s0 =	sand.u32 $0x1, s1  }
0x8c: {  	s14 =	sshll.u32 s0, $0xA;
	s2 =	sadd.s32 s3, s2  }
0x8d: {  	s2 =	sadd.s32 s2, s14  }
0x8e: {  	[smem:$0x3FC2] =	sst s2  }
0x8f: {  	_ = 	snop  }
0x90: {  	s2 =	sld [smem:$0x3FD0];
	_ =	sdelay $0x2  }
0x91: {  	s15 =	simm.s32 $0xA;
	s4 =	simm.s32 $0x10  }
0x92: {  	[smem:s4], [sflag:s15] =	dma.local [hbm:s2], $0x1  }
0x93: {  	_ =	swait.eq [sflag:s15], $0x1  }
0x94: {  	[sflag:s15] =	ssyncset.done $0x0  }
0x95: {  	[sflag:s15] =	ssyncadd.s32 $0xFFFFFFFF  }
0x96: {  	s16 =	sld [smem:$0x11];
	(tm) =	ssettm $0x1  }
0x97: {  	s17 =	sld [smem:$0x3FFB];
	_ =	sdelay $0x3  }
0x98: {  	_ =	strace s17  }
0x99: {  	s3 =	sld [smem:$0x3FFC];
	_ =	sdelay $0x3  }
0x9a: {  	_ =	strace s3  }
0x9b: {  	s3 =	sld [smem:$0x3FFD];
	_ =	sdelay $0x3  }
0x9c: {  	_ =	strace s3  }
0x9d: {  	_ =	strace $0x8FFFFFFF  }
0x9e: {  	s18 =	sld [smem:$0x3FDB];
	_ =	sdelay $0x1  }
0x9f: {  	s19 =	simm.s32 $_scs_section_size  }
0xa0: {  	s5 =	simm.s32 $_size__tile_overlayer_lowered;
	s6 =	simm.s32 $_tile_overlayer_lowered  }
0xa1: {  	s22 =	simm.s32 $0x1BFF;
	s21 =	sshll.u32 s6, $0x1;
	s3 =	sadd.s32 s19, s18  }
0xa2: {  	s7 =	simm.s32 $0x0;
	s20 =	sshll.u32 s5, $0x1;
	s5 =	sadd.s32 s21, s3  }
0xa3: {  	[timem:s7], [sflag:s22] =	dma.local [hbm:s5], s20  }
0xa4: {  	_ =	swait.ge [sflag:s22], s20  }
0xa5: {  	s4 =	ssub.s32 $0x0, s20;
	[sflag:s22] =	ssyncset.done $0x0  }
0xa6: {  	[sflag:s22] =	ssyncadd.s32 s4;
	_ =	sdelay $0x1  }
0xa7: {  	s23 =	simm.s32 $0x1B8B  }
0xa8: {  	_ =	swait.ge [sflag:s23], $0x1  }
0xa9: {  	[sflag:s23] =	ssyncset.done $0x0  }
0xaa: {  	s25 =	simm.s32 $0x1B8E;
	s24 =	sld [smem:$0x3FFE];
	[sflag:s23] =	ssyncadd.s32 $0xFFFFFFFF  }
0xab: {  	s26 =	simm.s32 $execute0_lowered;
	[smem:$0x3FD2] =	sst s25  }
0xac: {  	s5 =	sshll.u32 s26, $0x1;
	_ =	strace $0x80000049;
	[dreg:$0x1] =	wrdreg $0xFFFFFFFF  }
0xad: {  	s28 =	simm.s32 $_size_execute0_lowered;
	s3 =	sadd.s32 s3, s5;
	[dreg:$0x0] =	wrdreg $0x0  }
0xae: {  	s5 =	sshll.u32 s28, $0x1;
	[dreg:$0x2] =	wrdreg s3  }
0xaf: {  	[dreg:$0x3] =	wrdreg s5  }
0xb0: {  	[dreg:$0x4] =	wrdreg $0xC0  }
0xb1: {  	_ =	task [dreg:s7], $0x5FFFF  }
0xb2: {  	[dreg:$0x1] =	wrdreg $0xFFFFFFFF  }
0xb3: {  	[dreg:$0x0] =	wrdreg $0x60  }
0xb4: {  	[dreg:$0x2] =	wrdreg s24  }
0xb5: {  	[dreg:$0x3] =	wrdreg s16  }
0xb6: {  	[dreg:$0x4] =	wrdreg $0x9  }
0xb7: {  	_ =	task.clear_ibuf [dreg:s7], $0x5FFFF;
	_ =	strace $0x90000049  }
0xb8: {  	s29 =	simm.s32 $0x9;
	_ =	strace $0x8000004B  }
0xb9: {  	_ =	swait.ge [sflag:s29], $0x1  }
0xba: {  	[sflag:s29] =	ssyncadd.s32 $0xFFFFFFFF  }
0xbb: {  	_ =	strace $0x9000004B  }
0xbc: {  	_ =	sfence  }
0xbd: {  	s30 =	sld [smem:$0x0];
	_ =	sdelay $0x2  }
0xbe: {  	s31 =	sshll.u32 s1, $0xD;
	s1 =	sshrl.u32 s1, $0x2  }
0xbf: {  	s3 =	sand.u32 $0x4000, s31;
	s1 =	sadd.s32 s1, s30  }
0xc0: {  	s0 =	sor.u32 s3, s0;
	s1 =	sshll.u32 s1, $0x11  }
0xc1: {  	s0 =	sor.u32 s1, s0  }
0xc2: {  	s0 =	sadd.s32 $0x8F2B, s0  }
0xc3: {  	[sflag:s0] =	ssyncadd.remote.s32 $0x1  }
0xc4: {  	_ =	sfence.sel $0xFFFF  }
0xc5: {  	[dreg:$0x0] =	wrdreg $0xFFFFFFFF;
	(pc) =	sbr.abs _section_cstart, $3  }
0xc6: {  	[dreg:$0x1] =	wrdreg $0xFFFFFFFF  }
0xc7: {  	_ =	task.clear_ibuf [dreg:s7], $0x2FFFF;
	_ =	strace $0x9FFFFFFF  }
0xc8: {  	(tm) =	ssettm $0x7FFFFFFF  }
0xc9: {  	_ =	shalt  }
tec
execute0_lowered:
.L_overlay_start_1:
0x0: {  	(tag) =	ssettag $0x1  }
0x1: {  	s9 =	rddreg [dreg:$0x0]  }
0x2: {  	s24 =	rddreg [dreg:$0x1];
	s2 =	srdreg.scid  }
0x3: {  	s0 =	rddreg [dreg:$0x2];
	s1 =	stileid.u32;
	s25 =	sand.u32 $0x1, s2  }
0x4: {  	s2 =	simm.s32 $0x0;
	s4 =	sshll.u32 s1, $0xC;
	s3 =	sshll.u32 s25, $0x10  }
0x5: {  	s23 =	sadd.s32 $0x60200, s9;
	[smem:$0x7FF] =	sst s2;
	s26 =	sor.u32 s4, s3  }
0x6: {  	_ =	strace $0x8000004A;
	s3 =	simm.s32 $0x2;
	s4 =	sadd.s32 s23, s26  }
0x7: {  	[tilespmem:s2], [sflag:$0x2] =	stream.linear.gather [hbm4b:s4+s2], $0x2000, $0x38;
	[tilespmem:$0x8000] =	vst v63  }
0x8: {  	_ =	swait.ge [sflag:s3], $0x2000  }
0x9: {  	[sflag:s3] =	ssyncset.done $0x0  }
0xa: {  	s6 =	simm.s32 $0x2000;
	s5 =	sadd.s32 $0x40200, s9;
	[sflag:s3] =	ssyncadd.s32 $0xFFFFE000  }
0xb: {  	[tilespmem:s6], [sflag:$0x1] =	stream.indirect.gather [hbm4b:s5+s6], $0x1, s2, s6, $0xb8;
	[tilespmem:$0x8000] =	vst v63  }
0xc: {  	s8 =	simm.s32 $0x4000;
	s7 =	sadd.s32 $0x20200, s9  }
0xd: {  	[tilespmem:s8], [sflag:$0x1] =	stream.indirect.gather [hbm4b:s7+s6], $0x1, s2, s6, $0xb8;
	[tilespmem:$0x8000] =	vst v63  }
0xe: {  	s10 =	simm.s32 $0x6000;
	s11 =	simm.s32 $0x1;
	s9 =	sadd.s32 $0x200, s9  }
0xf: {  	[tilespmem:s10], [sflag:$0x1] =	stream.indirect.gather [hbm4b:s9+s6], $0x1, s2, s6, $0xb8;
	[tilespmem:$0x8000] =	vst v63  }
0x10: {  	_ =	swait.ge [sflag:s11], $0x2000  }
0x11: {  	[sflag:s11] =	ssyncset.done $0x0  }
0x12: {  	[sflag:s11] =	ssyncadd.s32 $0xFFFFE000  }
0x13: {  	_ =	swait.ge [sflag:s11], $0x2000  }
0x14: {  	[sflag:s11] =	ssyncset.done $0x0  }
0x15: {  	[sflag:s11] =	ssyncadd.s32 $0xFFFFE000  }
0x16: {  	_ =	swait.ge [sflag:s11], $0x2000  }
0x17: {  	[sflag:s11] =	ssyncset.done $0x0  }
0x18: {  	s12 =	sadd.s32 s24, s26;
	[sflag:s11] =	ssyncadd.s32 $0xFFFFE000  }
0x19: {  	[hbm4b:s12+s2] =	stream.linear.scatter [tilespmem:s6], [sflag:$0x2], $0x2000, $0x38;
	[tilespmem:$0x8000] =	vst v63  }
0x1a: {  	_ =	swait.ge [sflag:s3], $0x2000  }
0x1b: {  	[sflag:s3] =	ssyncset.done $0x0  }
0x1c: {  	s13 =	sadd.s32 $0x20000, s12;
	[sflag:s3] =	ssyncadd.s32 $0xFFFFE000  }
0x1d: {  	[hbm4b:s13+s2] =	stream.linear.scatter [tilespmem:s8], [sflag:$0x2], $0x2000, $0x38;
	[tilespmem:$0x8000] =	vst v63  }
0x1e: {  	_ =	swait.ge [sflag:s3], $0x2000  }
0x1f: {  	[sflag:s3] =	ssyncset.done $0x0  }
0x20: {  	s14 =	sadd.s32 $0x40000, s12;
	[sflag:s3] =	ssyncadd.s32 $0xFFFFE000  }
0x21: {  	[hbm4b:s14+s2] =	stream.linear.scatter [tilespmem:s10], [sflag:$0x2], $0x2000, $0x38;
	[tilespmem:$0x8000] =	vst v63  }
0x22: {  	_ =	swait.ge [sflag:s3], $0x2000  }
0x23: {  	s16 =	sor.u32 $0x400, s26;
	[sflag:s3] =	ssyncset.done $0x0  }
0x24: {  	s15 =	sadd.s32 s23, s16;
	[sflag:s3] =	ssyncadd.s32 $0xFFFFE000  }
0x25: {  	[tilespmem:s2], [sflag:$0x2] =	stream.linear.gather [hbm4b:s15+s2], $0x2000, $0x38;
	[tilespmem:$0x8000] =	vst v63  }
0x26: {  	_ =	swait.ge [sflag:s3], $0x2000  }
0x27: {  	[sflag:s3] =	ssyncset.done $0x0  }
0x28: {  	[sflag:s3] =	ssyncadd.s32 $0xFFFFE000  }
0x29: {  	[tilespmem:s6], [sflag:$0x1] =	stream.indirect.gather [hbm4b:s5+s6], $0x1, s2, s6, $0xb8;
	[tilespmem:$0x8000] =	vst v63  }
0x2a: {  	_ = 	snop  }
0x2b: {  	[tilespmem:s8], [sflag:$0x1] =	stream.indirect.gather [hbm4b:s7+s6], $0x1, s2, s6, $0xb8;
	[tilespmem:$0x8000] =	vst v63  }
0x2c: {  	_ = 	snop  }
0x2d: {  	[tilespmem:s10], [sflag:$0x1] =	stream.indirect.gather [hbm4b:s9+s6], $0x1, s2, s6, $0xb8;
	[tilespmem:$0x8000] =	vst v63  }
0x2e: {  	_ =	swait.ge [sflag:s11], $0x2000  }
0x2f: {  	[sflag:s11] =	ssyncset.done $0x0  }
0x30: {  	[sflag:s11] =	ssyncadd.s32 $0xFFFFE000  }
0x31: {  	_ =	swait.ge [sflag:s11], $0x2000  }
0x32: {  	[sflag:s11] =	ssyncset.done $0x0  }
0x33: {  	[sflag:s11] =	ssyncadd.s32 $0xFFFFE000  }
0x34: {  	_ =	swait.ge [sflag:s11], $0x2000  }
0x35: {  	[sflag:s11] =	ssyncset.done $0x0  }
0x36: {  	s16 =	sadd.s32 s24, s16;
	[sflag:s11] =	ssyncadd.s32 $0xFFFFE000  }
0x37: {  	[hbm4b:s16+s2] =	stream.linear.scatter [tilespmem:s6], [sflag:$0x2], $0x2000, $0x38;
	[tilespmem:$0x8000] =	vst v63  }
0x38: {  	_ =	swait.ge [sflag:s3], $0x2000  }
0x39: {  	[sflag:s3] =	ssyncset.done $0x0  }
0x3a: {  	s17 =	sadd.s32 $0x20400, s12;
	[sflag:s3] =	ssyncadd.s32 $0xFFFFE000  }
0x3b: {  	[hbm4b:s17+s2] =	stream.linear.scatter [tilespmem:s8], [sflag:$0x2], $0x2000, $0x38;
	[tilespmem:$0x8000] =	vst v63  }
0x3c: {  	_ =	swait.ge [sflag:s3], $0x2000  }
0x3d: {  	[sflag:s3] =	ssyncset.done $0x0  }
0x3e: {  	s18 =	sadd.s32 $0x40400, s12;
	[sflag:s3] =	ssyncadd.s32 $0xFFFFE000  }
0x3f: {  	[hbm4b:s18+s2] =	stream.linear.scatter [tilespmem:s10], [sflag:$0x2], $0x2000, $0x38;
	[tilespmem:$0x8000] =	vst v63  }
0x40: {  	_ =	swait.ge [sflag:s3], $0x2000  }
0x41: {  	s20 =	sor.u32 $0x800, s26;
	[sflag:s3] =	ssyncset.done $0x0  }
0x42: {  	s19 =	sadd.s32 s23, s20;
	[sflag:s3] =	ssyncadd.s32 $0xFFFFE000  }
0x43: {  	[tilespmem:s2], [sflag:$0x2] =	stream.linear.gather [hbm4b:s19+s2], $0x2000, $0x38;
	[tilespmem:$0x8000] =	vst v63  }
0x44: {  	_ =	swait.ge [sflag:s3], $0x2000  }
0x45: {  	[sflag:s3] =	ssyncset.done $0x0  }
0x46: {  	[sflag:s3] =	ssyncadd.s32 $0xFFFFE000  }
0x47: {  	[tilespmem:s6], [sflag:$0x1] =	stream.indirect.gather [hbm4b:s5+s6], $0x1, s2, s6, $0xb8;
	[tilespmem:$0x8000] =	vst v63  }
0x48: {  	_ = 	snop  }
0x49: {  	[tilespmem:s8], [sflag:$0x1] =	stream.indirect.gather [hbm4b:s7+s6], $0x1, s2, s6, $0xb8;
	[tilespmem:$0x8000] =	vst v63  }
0x4a: {  	_ = 	snop  }
0x4b: {  	[tilespmem:s10], [sflag:$0x1] =	stream.indirect.gather [hbm4b:s9+s6], $0x1, s2, s6, $0xb8;
	[tilespmem:$0x8000] =	vst v63  }
0x4c: {  	_ =	swait.ge [sflag:s11], $0x2000  }
0x4d: {  	[sflag:s11] =	ssyncset.done $0x0  }
0x4e: {  	[sflag:s11] =	ssyncadd.s32 $0xFFFFE000  }
0x4f: {  	_ =	swait.ge [sflag:s11], $0x2000  }
0x50: {  	[sflag:s11] =	ssyncset.done $0x0  }
0x51: {  	[sflag:s11] =	ssyncadd.s32 $0xFFFFE000  }
0x52: {  	_ =	swait.ge [sflag:s11], $0x2000  }
0x53: {  	[sflag:s11] =	ssyncset.done $0x0  }
0x54: {  	s20 =	sadd.s32 s24, s20;
	[sflag:s11] =	ssyncadd.s32 $0xFFFFE000  }
0x55: {  	[hbm4b:s20+s2] =	stream.linear.scatter [tilespmem:s6], [sflag:$0x2], $0x2000, $0x38;
	[tilespmem:$0x8000] =	vst v63  }
0x56: {  	_ =	swait.ge [sflag:s3], $0x2000  }
0x57: {  	[sflag:s3] =	ssyncset.done $0x0  }
0x58: {  	s21 =	sadd.s32 $0x20800, s12;
	[sflag:s3] =	ssyncadd.s32 $0xFFFFE000  }
0x59: {  	[hbm4b:s21+s2] =	stream.linear.scatter [tilespmem:s8], [sflag:$0x2], $0x2000, $0x38;
	[tilespmem:$0x8000] =	vst v63  }
0x5a: {  	_ =	swait.ge [sflag:s3], $0x2000  }
0x5b: {  	[sflag:s3] =	ssyncset.done $0x0  }
0x5c: {  	s22 =	sadd.s32 $0x40800, s12;
	[sflag:s3] =	ssyncadd.s32 $0xFFFFE000  }
0x5d: {  	[hbm4b:s22+s2] =	stream.linear.scatter [tilespmem:s10], [sflag:$0x2], $0x2000, $0x38;
	[tilespmem:$0x8000] =	vst v63  }
0x5e: {  	_ =	swait.ge [sflag:s3], $0x2000  }
0x5f: {  	s26 =	sor.u32 $0xC00, s26;
	[sflag:s3] =	ssyncset.done $0x0  }
0x60: {  	s23 =	sadd.s32 s23, s26;
	[sflag:s3] =	ssyncadd.s32 $0xFFFFE000  }
0x61: {  	[tilespmem:s2], [sflag:$0x2] =	stream.linear.gather [hbm4b:s23+s2], $0x2000, $0x38;
	[tilespmem:$0x8000] =	vst v63  }
0x62: {  	_ =	swait.ge [sflag:s3], $0x2000  }
0x63: {  	[sflag:s3] =	ssyncset.done $0x0  }
0x64: {  	[sflag:s3] =	ssyncadd.s32 $0xFFFFE000  }
0x65: {  	[tilespmem:s6], [sflag:$0x1] =	stream.indirect.gather [hbm4b:s5+s6], $0x1, s2, s6, $0xb8;
	[tilespmem:$0x8000] =	vst v63  }
0x66: {  	_ = 	snop  }
0x67: {  	[tilespmem:s8], [sflag:$0x1] =	stream.indirect.gather [hbm4b:s7+s6], $0x1, s2, s6, $0xb8;
	[tilespmem:$0x8000] =	vst v63  }
0x68: {  	_ = 	snop  }
0x69: {  	[tilespmem:s10], [sflag:$0x1] =	stream.indirect.gather [hbm4b:s9+s6], $0x1, s2, s6, $0xb8;
	[tilespmem:$0x8000] =	vst v63  }
0x6a: {  	_ =	swait.ge [sflag:s11], $0x2000  }
0x6b: {  	[sflag:s11] =	ssyncset.done $0x0  }
0x6c: {  	[sflag:s11] =	ssyncadd.s32 $0xFFFFE000  }
0x6d: {  	_ =	swait.ge [sflag:s11], $0x2000  }
0x6e: {  	[sflag:s11] =	ssyncset.done $0x0  }
0x6f: {  	[sflag:s11] =	ssyncadd.s32 $0xFFFFE000  }
0x70: {  	_ =	swait.ge [sflag:s11], $0x2000  }
0x71: {  	[sflag:s11] =	ssyncset.done $0x0  }
0x72: {  	s31 =	ssub.s32 $0x2, s25;
	s24 =	sadd.s32 s24, s26;
	[sflag:s11] =	ssyncadd.s32 $0xFFFFE000  }
0x73: {  	[hbm4b:s24+s2] =	stream.linear.scatter [tilespmem:s6], [sflag:$0x2], $0x2000, $0x38;
	[tilespmem:$0x8000] =	vst v63  }
0x74: {  	s28 =	sshrl.u32 s31, $0x1;
	_ =	swait.ge [sflag:s3], $0x2000  }
0x75: {  	s26 =	ssub.s32 s31, s28;
	[sflag:s3] =	ssyncset.done $0x0  }
0x76: {  	s25 =	sadd.s32 $0x20C00, s12;
	s28 =	smax.u32 s26, $0x1;
	[sflag:s3] =	ssyncadd.s32 $0xFFFFE000  }
0x77: {  	[hbm4b:s25+s2] =	stream.linear.scatter [tilespmem:s8], [sflag:$0x2], $0x2000, $0x38;
	[tilespmem:$0x8000] =	vst v63  }
0x78: {  	p0 =	sne.s32 s28, $0x1;
	_ =	swait.ge [sflag:s3], $0x2000  }
.Ltmp0:
0x79: {  	[sflag:s3] =	ssyncset.done $0x0;
	(pc) =	sbr.rel @!p0 .LBB2_2-.Ltmp0, $4  }
0x7a: {  	s26 =	sadd.s32 $0x40C00, s12;
	[sflag:s3] =	ssyncadd.s32 $0xFFFFE000  }
0x7b: {  	[hbm4b:s26+s2] =	stream.linear.scatter [tilespmem:s10], [sflag:$0x2], $0x2000, $0x38;
	[tilespmem:$0x8000] =	vst v63  }
0x7c: {  	_ =	swait.ge [sflag:s3], $0x2000  }
0x7d: {  	s28 =	sadd.s32 $0xFFFFFFFF, s28;
	[sflag:s3] =	ssyncset.done $0x0  }
.LBB2_1:
0x7e: {  	p0 =	sne.s32 s28, $0x1;
	s28 =	sadd.s32 $0xFFFFFFFF, s28;
	[sflag:s3] =	ssyncadd.s32 $0xFFFFE000  }
0x7f: {  	[tilespmem:s2], [sflag:$0x2] =	stream.linear.gather [hbm4b:s4+s2], $0x2000, $0x38;
	[tilespmem:$0x8000] =	vst v63  }
0x80: {  	_ =	swait.ge [sflag:s3], $0x2000  }
0x81: {  	[sflag:s3] =	ssyncset.done $0x0  }
0x82: {  	[sflag:s3] =	ssyncadd.s32 $0xFFFFE000  }
0x83: {  	[tilespmem:s6], [sflag:$0x1] =	stream.indirect.gather [hbm4b:s5+s6], $0x1, s2, s6, $0xb8;
	[tilespmem:$0x8000] =	vst v63  }
0x84: {  	_ = 	snop  }
0x85: {  	[tilespmem:s8], [sflag:$0x1] =	stream.indirect.gather [hbm4b:s7+s6], $0x1, s2, s6, $0xb8;
	[tilespmem:$0x8000] =	vst v63  }
0x86: {  	_ = 	snop  }
0x87: {  	[tilespmem:s10], [sflag:$0x1] =	stream.indirect.gather [hbm4b:s9+s6], $0x1, s2, s6, $0xb8;
	[tilespmem:$0x8000] =	vst v63  }
0x88: {  	_ =	swait.ge [sflag:s11], $0x2000  }
0x89: {  	[sflag:s11] =	ssyncset.done $0x0  }
0x8a: {  	[sflag:s11] =	ssyncadd.s32 $0xFFFFE000  }
0x8b: {  	_ =	swait.ge [sflag:s11], $0x2000  }
0x8c: {  	[sflag:s11] =	ssyncset.done $0x0  }
0x8d: {  	[sflag:s11] =	ssyncadd.s32 $0xFFFFE000  }
0x8e: {  	_ =	swait.ge [sflag:s11], $0x2000  }
0x8f: {  	[sflag:s11] =	ssyncset.done $0x0  }
0x90: {  	[sflag:s11] =	ssyncadd.s32 $0xFFFFE000  }
0x91: {  	[hbm4b:s12+s2] =	stream.linear.scatter [tilespmem:s6], [sflag:$0x2], $0x2000, $0x38;
	[tilespmem:$0x8000] =	vst v63  }
0x92: {  	_ =	swait.ge [sflag:s3], $0x2000  }
0x93: {  	[sflag:s3] =	ssyncset.done $0x0  }
0x94: {  	[sflag:s3] =	ssyncadd.s32 $0xFFFFE000  }
0x95: {  	[hbm4b:s13+s2] =	stream.linear.scatter [tilespmem:s8], [sflag:$0x2], $0x2000, $0x38;
	[tilespmem:$0x8000] =	vst v63  }
0x96: {  	_ =	swait.ge [sflag:s3], $0x2000  }
0x97: {  	[sflag:s3] =	ssyncset.done $0x0  }
0x98: {  	[sflag:s3] =	ssyncadd.s32 $0xFFFFE000  }
0x99: {  	[hbm4b:s14+s2] =	stream.linear.scatter [tilespmem:s10], [sflag:$0x2], $0x2000, $0x38;
	[tilespmem:$0x8000] =	vst v63  }
0x9a: {  	_ =	swait.ge [sflag:s3], $0x2000  }
0x9b: {  	[sflag:s3] =	ssyncset.done $0x0  }
0x9c: {  	[sflag:s3] =	ssyncadd.s32 $0xFFFFE000  }
0x9d: {  	[tilespmem:s2], [sflag:$0x2] =	stream.linear.gather [hbm4b:s15+s2], $0x2000, $0x38;
	[tilespmem:$0x8000] =	vst v63  }
0x9e: {  	_ =	swait.ge [sflag:s3], $0x2000  }
0x9f: {  	[sflag:s3] =	ssyncset.done $0x0  }
0xa0: {  	[sflag:s3] =	ssyncadd.s32 $0xFFFFE000  }
0xa1: {  	[tilespmem:s6], [sflag:$0x1] =	stream.indirect.gather [hbm4b:s5+s6], $0x1, s2, s6, $0xb8;
	[tilespmem:$0x8000] =	vst v63  }
0xa2: {  	_ = 	snop  }
0xa3: {  	[tilespmem:s8], [sflag:$0x1] =	stream.indirect.gather [hbm4b:s7+s6], $0x1, s2, s6, $0xb8;
	[tilespmem:$0x8000] =	vst v63  }
0xa4: {  	_ = 	snop  }
0xa5: {  	[tilespmem:s10], [sflag:$0x1] =	stream.indirect.gather [hbm4b:s9+s6], $0x1, s2, s6, $0xb8;
	[tilespmem:$0x8000] =	vst v63  }
0xa6: {  	_ =	swait.ge [sflag:s11], $0x2000  }
0xa7: {  	[sflag:s11] =	ssyncset.done $0x0  }
0xa8: {  	[sflag:s11] =	ssyncadd.s32 $0xFFFFE000  }
0xa9: {  	_ =	swait.ge [sflag:s11], $0x2000  }
0xaa: {  	[sflag:s11] =	ssyncset.done $0x0  }
0xab: {  	[sflag:s11] =	ssyncadd.s32 $0xFFFFE000  }
0xac: {  	_ =	swait.ge [sflag:s11], $0x2000  }
0xad: {  	[sflag:s11] =	ssyncset.done $0x0  }
0xae: {  	[sflag:s11] =	ssyncadd.s32 $0xFFFFE000  }
0xaf: {  	[hbm4b:s16+s2] =	stream.linear.scatter [tilespmem:s6], [sflag:$0x2], $0x2000, $0x38;
	[tilespmem:$0x8000] =	vst v63  }
0xb0: {  	_ =	swait.ge [sflag:s3], $0x2000  }
0xb1: {  	[sflag:s3] =	ssyncset.done $0x0  }
0xb2: {  	[sflag:s3] =	ssyncadd.s32 $0xFFFFE000  }
0xb3: {  	[hbm4b:s17+s2] =	stream.linear.scatter [tilespmem:s8], [sflag:$0x2], $0x2000, $0x38;
	[tilespmem:$0x8000] =	vst v63  }
0xb4: {  	_ =	swait.ge [sflag:s3], $0x2000  }
0xb5: {  	[sflag:s3] =	ssyncset.done $0x0  }
0xb6: {  	[sflag:s3] =	ssyncadd.s32 $0xFFFFE000  }
0xb7: {  	[hbm4b:s18+s2] =	stream.linear.scatter [tilespmem:s10], [sflag:$0x2], $0x2000, $0x38;
	[tilespmem:$0x8000] =	vst v63  }
0xb8: {  	_ =	swait.ge [sflag:s3], $0x2000  }
0xb9: {  	[sflag:s3] =	ssyncset.done $0x0  }
0xba: {  	[sflag:s3] =	ssyncadd.s32 $0xFFFFE000  }
0xbb: {  	[tilespmem:s2], [sflag:$0x2] =	stream.linear.gather [hbm4b:s19+s2], $0x2000, $0x38;
	[tilespmem:$0x8000] =	vst v63  }
0xbc: {  	_ =	swait.ge [sflag:s3], $0x2000  }
0xbd: {  	[sflag:s3] =	ssyncset.done $0x0  }
0xbe: {  	[sflag:s3] =	ssyncadd.s32 $0xFFFFE000  }
0xbf: {  	[tilespmem:s6], [sflag:$0x1] =	stream.indirect.gather [hbm4b:s5+s6], $0x1, s2, s6, $0xb8;
	[tilespmem:$0x8000] =	vst v63  }
0xc0: {  	_ = 	snop  }
0xc1: {  	[tilespmem:s8], [sflag:$0x1] =	stream.indirect.gather [hbm4b:s7+s6], $0x1, s2, s6, $0xb8;
	[tilespmem:$0x8000] =	vst v63  }
0xc2: {  	_ = 	snop  }
0xc3: {  	[tilespmem:s10], [sflag:$0x1] =	stream.indirect.gather [hbm4b:s9+s6], $0x1, s2, s6, $0xb8;
	[tilespmem:$0x8000] =	vst v63  }
0xc4: {  	_ =	swait.ge [sflag:s11], $0x2000  }
0xc5: {  	[sflag:s11] =	ssyncset.done $0x0  }
0xc6: {  	[sflag:s11] =	ssyncadd.s32 $0xFFFFE000  }
0xc7: {  	_ =	swait.ge [sflag:s11], $0x2000  }
0xc8: {  	[sflag:s11] =	ssyncset.done $0x0  }
0xc9: {  	[sflag:s11] =	ssyncadd.s32 $0xFFFFE000  }
0xca: {  	_ =	swait.ge [sflag:s11], $0x2000  }
0xcb: {  	[sflag:s11] =	ssyncset.done $0x0  }
0xcc: {  	[sflag:s11] =	ssyncadd.s32 $0xFFFFE000  }
0xcd: {  	[hbm4b:s20+s2] =	stream.linear.scatter [tilespmem:s6], [sflag:$0x2], $0x2000, $0x38;
	[tilespmem:$0x8000] =	vst v63  }
0xce: {  	_ =	swait.ge [sflag:s3], $0x2000  }
0xcf: {  	[sflag:s3] =	ssyncset.done $0x0  }
0xd0: {  	[sflag:s3] =	ssyncadd.s32 $0xFFFFE000  }
0xd1: {  	[hbm4b:s21+s2] =	stream.linear.scatter [tilespmem:s8], [sflag:$0x2], $0x2000, $0x38;
	[tilespmem:$0x8000] =	vst v63  }
0xd2: {  	_ =	swait.ge [sflag:s3], $0x2000  }
0xd3: {  	[sflag:s3] =	ssyncset.done $0x0  }
0xd4: {  	[sflag:s3] =	ssyncadd.s32 $0xFFFFE000  }
0xd5: {  	[hbm4b:s22+s2] =	stream.linear.scatter [tilespmem:s10], [sflag:$0x2], $0x2000, $0x38;
	[tilespmem:$0x8000] =	vst v63  }
0xd6: {  	_ =	swait.ge [sflag:s3], $0x2000  }
0xd7: {  	[sflag:s3] =	ssyncset.done $0x0  }
0xd8: {  	[sflag:s3] =	ssyncadd.s32 $0xFFFFE000  }
0xd9: {  	[tilespmem:s2], [sflag:$0x2] =	stream.linear.gather [hbm4b:s23+s2], $0x2000, $0x38;
	[tilespmem:$0x8000] =	vst v63  }
0xda: {  	_ =	swait.ge [sflag:s3], $0x2000  }
0xdb: {  	[sflag:s3] =	ssyncset.done $0x0  }
0xdc: {  	[sflag:s3] =	ssyncadd.s32 $0xFFFFE000  }
0xdd: {  	[tilespmem:s6], [sflag:$0x1] =	stream.indirect.gather [hbm4b:s5+s6], $0x1, s2, s6, $0xb8;
	[tilespmem:$0x8000] =	vst v63  }
0xde: {  	_ = 	snop  }
0xdf: {  	[tilespmem:s8], [sflag:$0x1] =	stream.indirect.gather [hbm4b:s7+s6], $0x1, s2, s6, $0xb8;
	[tilespmem:$0x8000] =	vst v63  }
0xe0: {  	_ = 	snop  }
0xe1: {  	[tilespmem:s10], [sflag:$0x1] =	stream.indirect.gather [hbm4b:s9+s6], $0x1, s2, s6, $0xb8;
	[tilespmem:$0x8000] =	vst v63  }
0xe2: {  	_ =	swait.ge [sflag:s11], $0x2000  }
0xe3: {  	[sflag:s11] =	ssyncset.done $0x0  }
0xe4: {  	[sflag:s11] =	ssyncadd.s32 $0xFFFFE000  }
0xe5: {  	_ =	swait.ge [sflag:s11], $0x2000  }
0xe6: {  	[sflag:s11] =	ssyncset.done $0x0  }
0xe7: {  	[sflag:s11] =	ssyncadd.s32 $0xFFFFE000  }
0xe8: {  	_ =	swait.ge [sflag:s11], $0x2000  }
0xe9: {  	[sflag:s11] =	ssyncset.done $0x0  }
0xea: {  	[sflag:s11] =	ssyncadd.s32 $0xFFFFE000  }
0xeb: {  	[hbm4b:s24+s2] =	stream.linear.scatter [tilespmem:s6], [sflag:$0x2], $0x2000, $0x38;
	[tilespmem:$0x8000] =	vst v63  }
0xec: {  	_ =	swait.ge [sflag:s3], $0x2000  }
0xed: {  	[sflag:s3] =	ssyncset.done $0x0  }
0xee: {  	[sflag:s3] =	ssyncadd.s32 $0xFFFFE000  }
0xef: {  	[hbm4b:s25+s2] =	stream.linear.scatter [tilespmem:s8], [sflag:$0x2], $0x2000, $0x38;
	[tilespmem:$0x8000] =	vst v63  }
0xf0: {  	_ =	swait.ge [sflag:s3], $0x2000  }
.Ltmp1:
0xf1: {  	[sflag:s3] =	ssyncset.done $0x0;
	(pc) =	sbr.rel @p0 .LBB2_1-.Ltmp1, $4  }
0xf2: {  	[sflag:s3] =	ssyncadd.s32 $0xFFFFE000  }
0xf3: {  	[hbm4b:s26+s2] =	stream.linear.scatter [tilespmem:s10], [sflag:$0x2], $0x2000, $0x38;
	[tilespmem:$0x8000] =	vst v63  }
0xf4: {  	_ =	swait.ge [sflag:s3], $0x2000  }
0xf5: {  	[sflag:s3] =	ssyncset.done $0x0  }
.LBB2_2:
0xf6: {  	[sflag:s3] =	ssyncadd.s32 $0xFFFFE000  }
0xf7: {  	_ =	sfence.sel $0x180000  }
0xf8: {  	[bflag:$0x0] =	sbarrier.arrive $0xFFFF  }
0xf9: {  	p0 =	sne.s32 s1, $0x0;
	_ =	strace $0x9000004A  }
0xfa: {  	s0 =	sadd.s32 @!p0 $0x100000, s0;
	[bflag:$0x2] =	sbarrier.arrive $0xFFFF  }
0xfb: {  	[sflag:s0] =	ssyncadd.tile.s32 @!p0 $0x1;
	_ =	shalt  }
.Lfunc_end2:
_tile_overlayer_lowered:
.L_overlay_start_2:
0xfc: {  	(tag) =	ssettag $0x2  }
0xfd: {  	s0 =	rddreg [dreg:$0x0];
	s2 =	stileid.u32  }
0xfe: {  	s1 =	rddreg [dreg:$0x1];
	p0 =	sne.s32 s2, $0x0  }
0xff: {  	s3 =	rddreg [dreg:$0x2];
	[bflag:$0x3] =	sbarrier.arrive $0xFFFF;
	s2 =	simm.s32 @!p0 $0x1C02  }
0x100: {  	[timem:s3], [sflag:s2] =	dma.local @!p0 [hbm:s0], s1  }
0x101: {  	s0 =	simm.s32 @!p0 $0x2  }
0x102: {  	_ =	swait.ge @!p0 [sflag:s0], s1  }
0x103: {  	s1 =	ssub.s32 @!p0 $0x0, s1;
	[sflag:s0] =	ssyncset.done @!p0 $0x0  }
0x104: {  	[sflag:s0] =	ssyncadd.s32 @!p0 s1  }
0x105: {  	[bflag:$0x3] =	sbarrier.arrive $0xFFFF  }
0x106: {  	_ =	shalt  }

// kernel: kernel.9.cloned.1.call-start
scs
__scs_entry_jumppad:
0x0: {  	(pc) =	sbr.rel $0x88, $3  }
0x1: {  	(tag) =	ssettag $0x0;
	lr =	simm.s32 $0x1  }
0x2: {  	[smem:$0x3F9B] =	sst lr;
	_ =	strace $0xD0000000  }
0x3: {  	_ = 	snop  }
0x4: {  	_ = 	snop  }
0x5: {  	_ = 	snop  }
0x6: {  	_ = 	snop  }
0x7: {  	_ = 	snop  }
__scs_overlays_trampoline_lowered:
0x8: {  	[smem:$0x3FAA] =	sst s0  }
0x9: {  	[smem:$0x3FAB] =	sst s1  }
0xa: {  	[smem:$0x3FAC] =	sst s2  }
0xb: {  	[smem:$0x3FAD] =	sst s3  }
0xc: {  	[smem:$0x3FAE] =	sst s4  }
0xd: {  	[smem:$0x3FAF] =	sst s5  }
0xe: {  	[smem:$0x3FB0] =	sst s6  }
0xf: {  	[smem:$0x3FB1] =	sst s7  }
0x10: {  	[smem:$0x3FB2] =	sst s8  }
0x11: {  	[smem:$0x3FB3] =	sst s9;
	s0 =	simm.s32 @!p0 $0x0  }
0x12: {  	s1 =	sld [smem:$0x3F99];
	s0 =	simm.s32 @p0 $0x1  }
0x13: {  	[smem:$0x3FB4] =	sst s0;
	s0 =	simm.s32 @!p1 $0x0  }
0x14: {  	s2 =	sld [smem:$0x3F98];
	s0 =	simm.s32 @p1 $0x1  }
0x15: {  	[smem:$0x3FB5] =	sst s0;
	s0 =	simm.s32 @!p2 $0x0  }
0x16: {  	s3 =	sld [smem:$0x3FDB];
	s0 =	simm.s32 @p2 $0x1  }
0x17: {  	s4 =	simm.s32 $0x1BF5;
	[smem:$0x3FB7] =	sst s0  }
0x18: {  	s0 =	sld [smem:$0x3F9A];
	_ =	swait.ge [sflag:s4], $0x0  }
0x19: {  	s7 =	sld [smem:$0x3F9B]  }
0x1a: {  	s8 =	sadd.s32 $0xFFFFE003, lr  }
0x1b: {  	s9 =	sadd.s32 $0xFFFFFEF7, lr;
	s5 =	simm.s32 $0xFFFFFFFF;
	p2 =	slt.u32 s8, $0xFFFFF086  }
0x1c: {  	p1 =	slt.u32 s9, $0xF7A;
	s5 =	simm.s32 @!p2 $0x0  }
0x1d: {  	s5 =	simm.s32 @p1 $0x1;
	p0 =	seq.s32 s7, s2  }
0x1e: {  	s7 =	smul.u32 @!p0 $0xF7A, s2;
	p2 =	seq.s32 @!p0 s5, $0x0  }
0x1f: {  	s9 =	smul.u32 $0xF7A, s1;
	s8 =	simm.s32 @!p0 $0x1BF5;
	p2 =	por !p2, p0  }
0x20: {  	[sflag:s8] =	ssyncset.s32 @!p0 $0xFFFFF086;
	s6 =	sadd.s32 @!p0 s3, s7;
	s7 =	simm.s32 @!p0 $0x108  }
0x21: {  	s3 =	sadd.s32 s3, s9;
	s6 =	sadd.s32 @!p0 $0x88, s6;
	s7 =	simm.s32 @p2 $0x1082  }
0x22: {  	[simem:s7], [sflag:s8] =	dma.local @!p0 [hbm:s6], $0xF7A  }
0x23: {  	s9 =	sor.u32 $0xD0000000, s2;
	s6 =	simm.s32 $0x108;
	_ =	swait.ge @!p0 [sflag:s8], $0x0  }
0x24: {  	s3 =	sadd.s32 $0x88, s3;
	s6 =	simm.s32 @!p1 $0x1082;
	[sflag:s4] =	ssyncset.s32 $0xFFFFF086  }
0x25: {  	[simem:s6], [sflag:s4] =	dma.local [hbm:s3], $0xF7A  }
0x26: {  	[smem:$0x3F9B] =	sst s1;
	(tag) =	ssettag s2;
	_ =	strace s9  }
0x27: {  	s1 =	sld [smem:$0x3FAB]  }
0x28: {  	s2 =	sld [smem:$0x3FAC]  }
0x29: {  	s4 =	sld [smem:$0x3FAE]  }
0x2a: {  	p0 =	seq.s32 s5, $0x0;
	s5 =	sld [smem:$0x3FAF]  }
0x2b: {  	s6 =	sld [smem:$0x3FB0]  }
0x2c: {  	s7 =	sld [smem:$0x3FB1]  }
0x2d: {  	s3 =	simm.s32 $0x108;
	s8 =	sld [smem:$0x3FB2]  }
0x2e: {  	s3 =	simm.s32 @!p0 $0x1082;
	s9 =	sld [smem:$0x3FB3]  }
0x2f: {  	lr =	sadd.s32 s0, s3;
	s0 =	sld [smem:$0x3FAA]  }
0x30: {  	s3 =	sld [smem:$0x3FAD]  }
0x31: {  	[smem:$0x3FB6] =	sst s10  }
0x32: {  	s10 =	sld [smem:$0x3FB4];
	_ =	sdelay $0x3  }
0x33: {  	p0 =	seq.s32 s10, $0x1;
	s10 =	sld [smem:$0x3FB6];
	_ =	sdelay $0x3  }
0x34: {  	[smem:$0x3FB6] =	sst s10  }
0x35: {  	s10 =	sld [smem:$0x3FB5];
	_ =	sdelay $0x3  }
0x36: {  	p1 =	seq.s32 s10, $0x1;
	s10 =	sld [smem:$0x3FB6];
	_ =	sdelay $0x3  }
0x37: {  	[smem:$0x3FB6] =	sst s10  }
0x38: {  	s10 =	sld [smem:$0x3FB7]  }
0x39: {  	_ = 	snop;
	(pc) =	sbr.ind lr, $3  }
0x3a: {  	_ = 	snop  }
0x3b: {  	_ = 	snop  }
0x3c: {  	p2 =	seq.s32 s10, $0x1;
	s10 =	sld [smem:$0x3FB6]  }
0x3d: {  	_ =	shalt  }
0x3e: {  	_ =	shalt  }
0x3f: {  	_ =	shalt  }
0x40: {  	_ =	shalt  }
0x41: {  	_ =	shalt  }
0x42: {  	_ =	shalt  }
0x43: {  	_ =	shalt  }
0x44: {  	_ =	shalt  }
0x45: {  	_ =	shalt  }
0x46: {  	_ =	shalt  }
0x47: {  	_ =	shalt  }
0x48: {  	_ =	shalt  }
0x49: {  	_ =	shalt  }
0x4a: {  	_ =	shalt  }
0x4b: {  	_ =	shalt  }
0x4c: {  	_ =	shalt  }
0x4d: {  	_ =	shalt  }
0x4e: {  	_ =	shalt  }
0x4f: {  	_ =	shalt  }
0x50: {  	_ =	shalt  }
0x51: {  	_ =	shalt  }
0x52: {  	_ =	shalt  }
0x53: {  	_ =	shalt  }
0x54: {  	_ =	shalt  }
0x55: {  	_ =	shalt  }
0x56: {  	_ =	shalt  }
0x57: {  	_ =	shalt  }
0x58: {  	_ =	shalt  }
0x59: {  	_ =	shalt  }
0x5a: {  	_ =	shalt  }
0x5b: {  	_ =	shalt  }
0x5c: {  	_ =	shalt  }
0x5d: {  	_ =	shalt  }
0x5e: {  	_ =	shalt  }
0x5f: {  	_ =	shalt  }
0x60: {  	_ =	shalt  }
0x61: {  	_ =	shalt  }
0x62: {  	_ =	shalt  }
0x63: {  	_ =	shalt  }
0x64: {  	_ =	shalt  }
0x65: {  	_ =	shalt  }
0x66: {  	_ =	shalt  }
0x67: {  	_ =	shalt  }
0x68: {  	_ =	shalt  }
0x69: {  	_ =	shalt  }
0x6a: {  	_ =	shalt  }
0x6b: {  	_ =	shalt  }
0x6c: {  	_ =	shalt  }
0x6d: {  	_ =	shalt  }
0x6e: {  	_ =	shalt  }
0x6f: {  	_ =	shalt  }
0x70: {  	_ =	shalt  }
0x71: {  	_ =	shalt  }
0x72: {  	_ =	shalt  }
0x73: {  	_ =	shalt  }
0x74: {  	_ =	shalt  }
0x75: {  	_ =	shalt  }
0x76: {  	_ =	shalt  }
0x77: {  	_ =	shalt  }
0x78: {  	_ =	shalt  }
0x79: {  	_ =	shalt  }
0x7a: {  	_ =	shalt  }
0x7b: {  	_ =	shalt  }
0x7c: {  	_ =	shalt  }
0x7d: {  	_ =	shalt  }
0x7e: {  	_ =	shalt  }
0x7f: {  	_ =	shalt  }
0x80: {  	_ =	shalt  }
0x81: {  	_ =	shalt  }
0x82: {  	_ =	shalt  }
0x83: {  	_ =	shalt  }
0x84: {  	_ =	shalt  }
0x85: {  	_ =	shalt  }
0x86: {  	_ =	shalt  }
0x87: {  	_ =	shalt  }
.Lfunc_end0:
.L_simem_size_0:
called_computation_lowered:
.L_overlay_start_0:
0x88: {  	s2 =	sld [smem:$0x3FD9]  }
0x89: {  	s3 =	sld [smem:$0x3FFE];
	_ =	sdelay $0x1  }
0x8a: {  	s1 =	srdreg.scid  }
0x8b: {  	s0 =	sand.u32 $0x1, s1  }
0x8c: {  	s14 =	sshll.u32 s0, $0xA;
	s2 =	sadd.s32 s3, s2  }
0x8d: {  	s2 =	sadd.s32 s2, s14  }
0x8e: {  	[smem:$0x3FC2] =	sst s2  }
0x8f: {  	_ = 	snop  }
0x90: {  	s2 =	sld [smem:$0x3FD0];
	_ =	sdelay $0x2  }
0x91: {  	s15 =	simm.s32 $0xA;
	s4 =	simm.s32 $0x10  }
0x92: {  	[smem:s4], [sflag:s15] =	dma.local [hbm:s2], $0x1  }
0x93: {  	_ =	swait.eq [sflag:s15], $0x1  }
0x94: {  	[sflag:s15] =	ssyncset.done $0x0  }
0x95: {  	[sflag:s15] =	ssyncadd.s32 $0xFFFFFFFF  }
0x96: {  	s16 =	sld [smem:$0x11];
	(tm) =	ssettm $0x1  }
0x97: {  	s17 =	sld [smem:$0x3FFB];
	_ =	sdelay $0x3  }
0x98: {  	_ =	strace s17  }
0x99: {  	s3 =	sld [smem:$0x3FFC];
	_ =	sdelay $0x3  }
0x9a: {  	_ =	strace s3  }
0x9b: {  	s3 =	sld [smem:$0x3FFD];
	_ =	sdelay $0x3  }
0x9c: {  	_ =	strace s3  }
0x9d: {  	_ =	strace $0x8FFFFFFF  }
0x9e: {  	s18 =	sld [smem:$0x3FDB];
	_ =	sdelay $0x1  }
0x9f: {  	s19 =	simm.s32 $_scs_section_size  }
0xa0: {  	s5 =	simm.s32 $_size__tile_overlayer_lowered;
	s6 =	simm.s32 $_tile_overlayer_lowered  }
0xa1: {  	s22 =	simm.s32 $0x1BFF;
	s21 =	sshll.u32 s6, $0x1;
	s3 =	sadd.s32 s19, s18  }
0xa2: {  	s7 =	simm.s32 $0x0;
	s20 =	sshll.u32 s5, $0x1;
	s5 =	sadd.s32 s21, s3  }
0xa3: {  	[timem:s7], [sflag:s22] =	dma.local [hbm:s5], s20  }
0xa4: {  	_ =	swait.ge [sflag:s22], s20  }
0xa5: {  	s4 =	ssub.s32 $0x0, s20;
	[sflag:s22] =	ssyncset.done $0x0  }
0xa6: {  	[sflag:s22] =	ssyncadd.s32 s4;
	_ =	sdelay $0x1  }
0xa7: {  	s23 =	simm.s32 $0x1B8B  }
0xa8: {  	_ =	swait.ge [sflag:s23], $0x1  }
0xa9: {  	[sflag:s23] =	ssyncset.done $0x0  }
0xaa: {  	s25 =	simm.s32 $0x1B8E;
	s24 =	sld [smem:$0x3FFE];
	[sflag:s23] =	ssyncadd.s32 $0xFFFFFFFF  }
0xab: {  	s26 =	simm.s32 $execute0_lowered;
	[smem:$0x3FD2] =	sst s25  }
0xac: {  	s5 =	sshll.u32 s26, $0x1;
	_ =	strace $0x80000046;
	[dreg:$0x1] =	wrdreg $0xFFFFFFFF  }
0xad: {  	s28 =	simm.s32 $_size_execute0_lowered;
	s3 =	sadd.s32 s3, s5;
	[dreg:$0x0] =	wrdreg $0x0  }
0xae: {  	s5 =	sshll.u32 s28, $0x1;
	[dreg:$0x2] =	wrdreg s3  }
0xaf: {  	[dreg:$0x3] =	wrdreg s5  }
0xb0: {  	[dreg:$0x4] =	wrdreg $0xC0  }
0xb1: {  	_ =	task [dreg:s7], $0x5FFFF  }
0xb2: {  	[dreg:$0x1] =	wrdreg $0xFFFFFFFF  }
0xb3: {  	[dreg:$0x0] =	wrdreg $0x60  }
0xb4: {  	[dreg:$0x2] =	wrdreg s24  }
0xb5: {  	[dreg:$0x3] =	wrdreg s16  }
0xb6: {  	[dreg:$0x4] =	wrdreg $0x0  }
0xb7: {  	[dreg:$0x5] =	wrdreg $0x9  }
0xb8: {  	_ =	task.clear_ibuf [dreg:s7], $0x6FFFF;
	_ =	strace $0x90000046  }
0xb9: {  	s29 =	simm.s32 $0x9;
	_ =	strace $0x80000048  }
0xba: {  	_ =	swait.ge [sflag:s29], $0x1  }
0xbb: {  	[sflag:s29] =	ssyncadd.s32 $0xFFFFFFFF  }
0xbc: {  	_ =	strace $0x90000048  }
0xbd: {  	_ =	sfence  }
0xbe: {  	s30 =	sld [smem:$0x0];
	_ =	sdelay $0x2  }
0xbf: {  	s31 =	sshll.u32 s1, $0xD;
	s1 =	sshrl.u32 s1, $0x2  }
0xc0: {  	s3 =	sand.u32 $0x4000, s31;
	s1 =	sadd.s32 s1, s30  }
0xc1: {  	s0 =	sor.u32 s3, s0;
	s1 =	sshll.u32 s1, $0x11  }
0xc2: {  	s0 =	sor.u32 s1, s0  }
0xc3: {  	s0 =	sadd.s32 $0x8F2B, s0  }
0xc4: {  	[sflag:s0] =	ssyncadd.remote.s32 $0x1  }
0xc5: {  	_ =	sfence.sel $0xFFFF  }
0xc6: {  	[dreg:$0x0] =	wrdreg $0xFFFFFFFF;
	(pc) =	sbr.abs _section_cstart, $3  }
0xc7: {  	[dreg:$0x1] =	wrdreg $0xFFFFFFFF  }
0xc8: {  	_ =	task.clear_ibuf [dreg:s7], $0x2FFFF;
	_ =	strace $0x9FFFFFFF  }
0xc9: {  	(tm) =	ssettm $0x7FFFFFFF  }
tec
execute0_lowered:
.L_overlay_start_1:
0x0: {  	(tag) =	ssettag $0x1  }
0x1: {  	s4 =	rddreg [dreg:$0x0]  }
0x2: {  	s16 =	rddreg [dreg:$0x1]  }
0x3: {  	s1 =	rddreg [dreg:$0x2]  }
0x4: {  	s0 =	rddreg [dreg:$0x3];
	s2 =	simm.s32 $0x0;
	s5 =	srdreg.scid  }
0x5: {  	s3 =	stileid.u32;
	s21 =	simm.s32 $0x10010;
	s22 =	simm.s32 $0x2000  }
0x6: {  	s23 =	simm.s32 $0x12010;
	s24 =	simm.s32 $0x20;
	s25 =	simm.s32 $0x10  }
0x7: {  	s26 =	simm.s32 $0x0;
	[smem:$0x7FF] =	sst s2;
	s15 =	sand.u32 $0x1, s5  }
0x8: {  	s6 =	sshll.u32 s3, $0xC;
	s7 =	sshll.u32 s3, $0x10;
	s12 =	sadd.s32 $0x100000, s1  }
0x9: {  	s20 =	sshll.u32 s3, $0xE;
	p0 =	sne.s32 s3, $0x0;
	_ =	strace $0x80000047  }
0xa: {  	s5 =	sshll.u32 s15, $0x10;
	s30 =	ssub.s32 $0x2, s15;
	s19 =	sshll.u32 s15, $0x4  }
0xb: {  	s5 =	sor.u32 s6, s5;
	s31 =	sshrl.u32 s30, $0x1;
	s19 =	sadd.s32 s16, s19  }
0xc: {  	s17 =	sadd.s32 s5, s4;
	s4 =	sadd.s32 s7, s1;
	s18 =	ssub.s32 s30, s31  }
0xd: {  	s5 =	sadd.s32 $0x2000, s4;
	s6 =	sadd.s32 $0x4000, s4;
	s7 =	sadd.s32 $0x6000, s4  }
0xe: {  	s8 =	sadd.s32 $0x8000, s4;
	s9 =	sadd.s32 $0xA000, s4;
	s10 =	sadd.s32 $0xC000, s4  }
0xf: {  	s11 =	sadd.s32 $0xE000, s4;
	s13 =	sadd.s32 $0x60200, s17;
	s14 =	sadd.s32 $0x60600, s17  }
0x10: {  	s15 =	sadd.s32 $0x60A00, s17;
	s16 =	sadd.s32 $0x60E00, s17;
	s17 =	sadd.s32 s20, s19  }
0x11: {  	v0 =	vimm.s32 $0x1;
	v1 =	vimm.s32 $0x0;
	s18 =	smax.u32 s18, $0x1;
	s19 =	simm.s32 $0x14010;
	s20 =	simm.s32 $0x1  }
.LBB2_1:
0x12: {  	s28 =	simm.s32 $0x0  }
.LBB2_2:
0x13: {  	p1 =	sne.s32 s28, $0x7FC0  }
.Ltmp0:
0x14: {  	_ = 	snop;
	(pc) =	sbr.rel @p1 .LBB2_2-.Ltmp0, $3  }
0x15: {  	_ =	sdelay $0x1  }
0x16: {  	s29 =	sshra.s32 s28, $0x2  }
0x17: {  	s28 =	sadd.s32 $0x40, s28;
	[tilespmem:s29+$0x12010] =	vst v0  }
0x18: {  	s28 =	simm.s32 $0x40;
	s29 =	simm.s32 $0x0  }
.LBB2_4:
0x19: {  	p1 =	sne.s32 s28, $0x7FC0;
	[tilespmem:s29+$0x14010] =	vst v1;
	s29 =	smov.u32 s28;
	s28 =	sadd.s32 $0x40, s28  }
.Ltmp1:
0x1a: {  	(pc) =	sbr.rel @p1 .LBB2_4-.Ltmp1, $2  }
0x1b: {  	_ =	sdelay $0x2  }
0x1c: {  	s29 =	sshra.s32 s29, $0x2  }
0x1d: {  	[tilespmem:s29+$0x14010] =	vst v1  }
0x1e: {  	[spmem:s4] =	stream.linear.scatter [tilespmem:s19], [sflag:$0x1], $0x2000, $0x38;
	[tilespmem:$0x16010] =	vst v63  }
0x1f: {  	_ =	swait.ge [sflag:s20], $0x2000  }
0x20: {  	[sflag:s20] =	ssyncset.done $0x0  }
0x21: {  	[sflag:s20] =	ssyncadd.s32 $0xFFFFE000  }
0x22: {  	[spmem:s5] =	stream.linear.scatter [tilespmem:s19], [sflag:$0x1], $0x2000, $0x38;
	[tilespmem:$0x16010] =	vst v63  }
0x23: {  	_ =	swait.ge [sflag:s20], $0x2000  }
0x24: {  	[sflag:s20] =	ssyncset.done $0x0  }
0x25: {  	[sflag:s20] =	ssyncadd.s32 $0xFFFFE000  }
0x26: {  	[spmem:s6] =	stream.linear.scatter [tilespmem:s19], [sflag:$0x1], $0x2000, $0x38;
	[tilespmem:$0x16010] =	vst v63  }
0x27: {  	_ =	swait.ge [sflag:s20], $0x2000  }
0x28: {  	[sflag:s20] =	ssyncset.done $0x0  }
0x29: {  	[sflag:s20] =	ssyncadd.s32 $0xFFFFE000  }
0x2a: {  	[spmem:s7] =	stream.linear.scatter [tilespmem:s19], [sflag:$0x1], $0x2000, $0x38;
	[tilespmem:$0x16010] =	vst v63  }
0x2b: {  	_ =	swait.ge [sflag:s20], $0x2000  }
0x2c: {  	[sflag:s20] =	ssyncset.done $0x0  }
0x2d: {  	[sflag:s20] =	ssyncadd.s32 $0xFFFFE000  }
0x2e: {  	[spmem:s8] =	stream.linear.scatter [tilespmem:s19], [sflag:$0x1], $0x2000, $0x38;
	[tilespmem:$0x16010] =	vst v63  }
0x2f: {  	_ =	swait.ge [sflag:s20], $0x2000  }
0x30: {  	[sflag:s20] =	ssyncset.done $0x0  }
0x31: {  	[sflag:s20] =	ssyncadd.s32 $0xFFFFE000  }
0x32: {  	[spmem:s9] =	stream.linear.scatter [tilespmem:s19], [sflag:$0x1], $0x2000, $0x38;
	[tilespmem:$0x16010] =	vst v63  }
0x33: {  	_ =	swait.ge [sflag:s20], $0x2000  }
0x34: {  	[sflag:s20] =	ssyncset.done $0x0  }
0x35: {  	[sflag:s20] =	ssyncadd.s32 $0xFFFFE000  }
0x36: {  	[spmem:s10] =	stream.linear.scatter [tilespmem:s19], [sflag:$0x1], $0x2000, $0x38;
	[tilespmem:$0x16010] =	vst v63  }
0x37: {  	_ =	swait.ge [sflag:s20], $0x2000  }
0x38: {  	[sflag:s20] =	ssyncset.done $0x0  }
0x39: {  	[sflag:s20] =	ssyncadd.s32 $0xFFFFE000  }
0x3a: {  	[spmem:s11] =	stream.linear.scatter [tilespmem:s19], [sflag:$0x1], $0x2000, $0x38;
	[tilespmem:$0x16010] =	vst v63  }
0x3b: {  	_ =	swait.ge [sflag:s20], $0x2000  }
0x3c: {  	[sflag:s20] =	ssyncset.done $0x0  }
0x3d: {  	s28 =	simm.s32 @!p0 $0x14010;
	[sflag:s20] =	ssyncadd.s32 $0xFFFFE000  }
0x3e: {  	[spmem:s12] =	stream.linear.scatter @!p0 [tilespmem:s28], [sflag:$0x1], $0x100, $0x38;
	[tilespmem:$0x16010] =	vst v63  }
0x3f: {  	s28 =	simm.s32 @!p0 $0x1  }
0x40: {  	_ =	swait.ge @!p0 [sflag:s28], $0x100  }
0x41: {  	[sflag:s28] =	ssyncset.done @!p0 $0x0  }
0x42: {  	[sflag:s28] =	ssyncadd.s32 @!p0 $0xFFFFFF00  }
0x43: {  	[bflag:$0x0] =	sbarrier.arrive $0xFFFF  }
0x44: {  	[tilespmem:s21], [sflag:$0x1] =	stream.linear.gather [hbm4b:s13+s2], $0x2000, $0x38;
	[tilespmem:$0x16010] =	vst v63  }
0x45: {  	_ =	swait.ge [sflag:s20], $0x2000  }
0x46: {  	[sflag:s20] =	ssyncset.done $0x0  }
0x47: {  	[sflag:s20] =	ssyncadd.s32 $0xFFFFE000  }
0x48: {  	[spmem:s1] =	stream.indirect.scatter.add.s32 [tilespmem:s23], [sflag:$0x1], $0x1, s21, s22, $0xb8;
	[tilespmem:$0x16010] =	vst v63  }
0x49: {  	_ =	swait.ge [sflag:s20], $0x2000  }
0x4a: {  	[sflag:s20] =	ssyncset.done $0x0  }
0x4b: {  	[sflag:s20] =	ssyncadd.s32 $0xFFFFE000  }
0x4c: {  	[tilespmem:s21], [sflag:$0x1] =	stream.linear.gather [hbm4b:s14+s2], $0x2000, $0x38;
	[tilespmem:$0x16010] =	vst v63  }
0x4d: {  	_ =	swait.ge [sflag:s20], $0x2000  }
0x4e: {  	[sflag:s20] =	ssyncset.done $0x0  }
0x4f: {  	[sflag:s20] =	ssyncadd.s32 $0xFFFFE000  }
0x50: {  	[spmem:s1] =	stream.indirect.scatter.add.s32 [tilespmem:s23], [sflag:$0x1], $0x1, s21, s22, $0xb8;
	[tilespmem:$0x16010] =	vst v63  }
0x51: {  	_ =	swait.ge [sflag:s20], $0x2000  }
0x52: {  	[sflag:s20] =	ssyncset.done $0x0  }
0x53: {  	[sflag:s20] =	ssyncadd.s32 $0xFFFFE000  }
0x54: {  	[tilespmem:s21], [sflag:$0x1] =	stream.linear.gather [hbm4b:s15+s2], $0x2000, $0x38;
	[tilespmem:$0x16010] =	vst v63  }
0x55: {  	_ =	swait.ge [sflag:s20], $0x2000  }
0x56: {  	[sflag:s20] =	ssyncset.done $0x0  }
0x57: {  	[sflag:s20] =	ssyncadd.s32 $0xFFFFE000  }
0x58: {  	[spmem:s1] =	stream.indirect.scatter.add.s32 [tilespmem:s23], [sflag:$0x1], $0x1, s21, s22, $0xb8;
	[tilespmem:$0x16010] =	vst v63  }
0x59: {  	_ =	swait.ge [sflag:s20], $0x2000  }
0x5a: {  	[sflag:s20] =	ssyncset.done $0x0  }
0x5b: {  	[sflag:s20] =	ssyncadd.s32 $0xFFFFE000  }
0x5c: {  	[tilespmem:s21], [sflag:$0x1] =	stream.linear.gather [hbm4b:s16+s2], $0x2000, $0x38;
	[tilespmem:$0x16010] =	vst v63  }
0x5d: {  	_ =	swait.ge [sflag:s20], $0x2000  }
0x5e: {  	[sflag:s20] =	ssyncset.done $0x0  }
0x5f: {  	[sflag:s20] =	ssyncadd.s32 $0xFFFFE000  }
0x60: {  	[spmem:s1] =	stream.indirect.scatter.add.s32 [tilespmem:s23], [sflag:$0x1], $0x1, s21, s22, $0xb8;
	[tilespmem:$0x16010] =	vst v63  }
0x61: {  	_ =	swait.ge [sflag:s20], $0x2000  }
0x62: {  	s30 =	sshll.u32 s3, $0x6;
	s26 =	sadd.s32 $0x1, s26;
	[sflag:s20] =	ssyncset.done $0x0  }
0x63: {  	s31 =	sshrl.u32 s4, $0x3;
	p1 =	sne.s32 s26, s18;
	[sflag:s20] =	ssyncadd.s32 $0xFFFFE000  }
.Ltmp2:
0x64: {  	s28 =	sor.u32 $0x1C01, s30;
	[bflag:$0x0] =	sbarrier.arrive $0xFFFF;
	(pc) =	sbr.rel @p1 .LBB2_1-.Ltmp2, $4  }
0x65: {  	[hbm:s17@s24], [sflag:s28] =	dma.strided [spmem:s31@s25], $0x2000, s20, $0x10   }
0x66: {  	_ =	swait.ge [sflag:s20], $0x2000  }
0x67: {  	[sflag:s20] =	ssyncset.done $0x0  }
0x68: {  	[sflag:s20] =	ssyncadd.s32 $0xFFFFE000  }
0x69: {  	_ =	sfence.sel $0x180000  }
0x6a: {  	[bflag:$0x0] =	sbarrier.arrive $0xFFFF  }
0x6b: {  	_ =	strace $0x90000047  }
0x6c: {  	s0 =	sadd.s32 @!p0 $0x100000, s0;
	[bflag:$0x2] =	sbarrier.arrive $0xFFFF  }
0x6d: {  	[sflag:s0] =	ssyncadd.tile.s32 @!p0 $0x1;
	_ =	shalt  }
.Lfunc_end2:
_tile_overlayer_lowered:
.L_overlay_start_2:
0x6e: {  	(tag) =	ssettag $0x2  }
0x6f: {  	s0 =	rddreg [dreg:$0x0];
	s2 =	stileid.u32  }
0x70: {  	s1 =	rddreg [dreg:$0x1];
	p0 =	sne.s32 s2, $0x0  }
0x71: {  	s3 =	rddreg [dreg:$0x2];
	[bflag:$0x3] =	sbarrier.arrive $0xFFFF;
	s2 =	simm.s32 @!p0 $0x1C01  }
0x72: {  	[timem:s3], [sflag:s2] =	dma.local @!p0 [hbm:s0], s1  }
0x73: {  	s0 =	simm.s32 @!p0 $0x1  }
0x74: {  	_ =	swait.ge @!p0 [sflag:s0], s1  }
0x75: {  	s1 =	ssub.s32 @!p0 $0x0, s1;
	[sflag:s0] =	ssyncset.done @!p0 $0x0  }
0x76: {  	[sflag:s0] =	ssyncadd.s32 @!p0 s1  }
0x77: {  	[bflag:$0x3] =	sbarrier.arrive $0xFFFF  }
0x78: {  	_ =	shalt  }

</sc_bundles>
